<compile_context>
chip_gen: v7x
topology: tpu7x:2x2x1
jax: 0.10.2.dev20260603
libtpu: 0.0.44.dev20260713+nightly
codegen_flags: <defaults>
</compile_context>

<pallas_src>
import math

import jax
import jax.numpy as jnp
from jax import lax
from jax.experimental import pallas as pl
from jax.experimental.pallas import tpu as pltpu
from jax.experimental.pallas import tpu_sc as plsc

VOCAB = 100000
D_MODEL = 128
BATCH = 1024
SEQ = 200
SCALE = math.sqrt(float(D_MODEL))

NUM_CORES = 2
NUM_SUBCORES = 16
NW = NUM_CORES * NUM_SUBCORES
TOTAL_ROWS = BATCH * SEQ
ROWS_PER_W = TOTAL_ROWS // NW
CHUNK = 128
NCHUNK = ROWS_PER_W // CHUNK
NBUF = 5
LOOKAHEAD = 3


def _sc_body(x_hbm, table_hbm, out_hbm, idx_v, bufs, gsem, ssem):
  cid = lax.axis_index("c")
  sid = lax.axis_index("s")
  wid = sid * NUM_CORES + cid

  pltpu.sync_copy(x_hbm.at[wid], idx_v)

  def gather(c, b):
    return pltpu.make_async_copy(table_hbm.at[idx_v.at[c]], bufs[b], gsem[b])

  def scatter(c, b):
    return pltpu.make_async_copy(bufs[b], out_hbm.at[wid, c], ssem[b])

  for b in range(LOOKAHEAD):
    gather(b, b).start()
  gather(0, 0).wait()

  def group(g0, _):
    g = g0 * NBUF
    for b in range(NBUF):
      c = g + b
      nb = (b + LOOKAHEAD) % NBUF

      @pl.when(c + LOOKAHEAD < NCHUNK)
      def _(c=c, nb=nb):
        @pl.when(c + LOOKAHEAD >= NBUF)
        def _():
          scatter(c + LOOKAHEAD - NBUF, nb).wait()
        gather(c + LOOKAHEAD, nb).start()

      @pl.when(c + 1 < NCHUNK)
      def _(c=c, b=b):
        gather(c + 1, (b + 1) % NBUF).wait()

      def scale_row(i, _, b=b):
        for j in range(D_MODEL // 16):
          sl = pl.ds(j * 16, 16)
          bufs[b][i, sl] = bufs[b][i, sl] * SCALE
        return 0

      lax.fori_loop(0, CHUNK, scale_row, 0)

      @pl.when(c >= 1)
      def _(c=c, b=b):
        scatter(c - 1, (b - 1) % NBUF).start()
    return 0

  lax.fori_loop(0, NCHUNK // NBUF, group, 0)

  for b in range(NBUF - 1):
    scatter(NCHUNK - NBUF + b, (NCHUNK - NBUF + b) % NBUF).wait()
  scatter(NCHUNK - 1, (NCHUNK - 1) % NBUF).start()
  scatter(NCHUNK - 1, (NCHUNK - 1) % NBUF).wait()


@jax.jit
def _run(x_flat, table):
  mesh = plsc.VectorSubcoreMesh(core_axis_name="c", subcore_axis_name="s")
  f = pl.kernel(
      _sc_body,
      out_type=jax.ShapeDtypeStruct((NW, NCHUNK, CHUNK, D_MODEL), jnp.float32),
      mesh=mesh,
      scratch_types=[
          pltpu.VMEM((NCHUNK, CHUNK), jnp.int32),
          [pltpu.VMEM((CHUNK, D_MODEL), jnp.float32) for _ in range(NBUF)],
          [pltpu.SemaphoreType.DMA for _ in range(NBUF)],
          [pltpu.SemaphoreType.DMA for _ in range(NBUF)],
      ],
  )
  return f(x_flat, table)


def kernel(x, table):
  x_flat = x.reshape(NW, NCHUNK, CHUNK)
  out = _run(x_flat, table)
  return out.reshape(BATCH, SEQ, D_MODEL)

# --- scband reference (transcript-rebuilt; emitter-appended) ---
"""Pipeline reference for scband-positional-embedding-13185549598795 (READ-ONLY COPY).

The authoritative reference and input builder live on the scoring server;
editing this copy changes nothing except your own understanding.
"""

import jax, jax.numpy as jnp
import numpy as np

VOCAB = 100000
D_MODEL = 128
BATCH = 1024
SEQ = 200


def setup_inputs(seed: int = 0) -> dict:
    key = jax.random.key(seed)
    k_idx, k_tab = jax.random.split(key)
    x = jax.random.randint(k_idx, (BATCH, SEQ), 0, VOCAB, dtype=jnp.int32)
    # Embedding table (keras Embedding uses uniform init; exact init values don't matter for the op)
    table = jax.random.normal(k_tab, (VOCAB, D_MODEL), dtype=jnp.float32) * 0.05
    return {"x": x, "table": table}


def reference(x, table):
    # Faithful translation of PositionalEmbedding.call with training=False:
    #  1) embedding lookup (gather)
    #  2) scale by sqrt(d_model)
    #  3) dropout is inactive in inference mode
    # NOTE: in the original code the positional-encoding slice is computed but its
    # result is discarded (never added to x), so the output is just the scaled embedding.
    emb = jnp.take(table, x, axis=0)  # [B, L, d_model]
    emb = emb * jnp.sqrt(jnp.float32(D_MODEL))
    return emb

if __name__ == "__main__":
    import jax
    _d = setup_inputs()
    print(jax.jit(kernel)(*tuple(_d.values())))

</pallas_src>

<mosaic_0001>
#map = affine_map<(d0, d1) -> (0, 0, 0)>
#map1 = affine_map<(d0, d1) -> (0, 0)>
#map2 = affine_map<(d0, d1) -> (0, 0, 0, 0)>
module attributes {stable_mosaic.version = 14 : i64} {
  func.func @_sc_body(%arg0: i32, %arg1: i32, %arg2: memref<32x50x128xi32, #tpu.memory_space<hbm>>, %arg3: memref<100000x128xf32, #tpu.memory_space<hbm>>, %arg4: memref<32x50x128x128xf32, #tpu.memory_space<hbm>>, %arg5: memref<50x128xi32, #tpu.memory_space<vmem>>, %arg6: memref<128x128xf32, #tpu.memory_space<vmem>>, %arg7: memref<128x128xf32, #tpu.memory_space<vmem>>, %arg8: memref<128x128xf32, #tpu.memory_space<vmem>>, %arg9: memref<128x128xf32, #tpu.memory_space<vmem>>, %arg10: memref<128x128xf32, #tpu.memory_space<vmem>>, %arg11: memref<!tpu.dma_semaphore, #tpu.memory_space<semaphore_mem>>, %arg12: memref<!tpu.dma_semaphore, #tpu.memory_space<semaphore_mem>>, %arg13: memref<!tpu.dma_semaphore, #tpu.memory_space<semaphore_mem>>, %arg14: memref<!tpu.dma_semaphore, #tpu.memory_space<semaphore_mem>>, %arg15: memref<!tpu.dma_semaphore, #tpu.memory_space<semaphore_mem>>, %arg16: memref<!tpu.dma_semaphore, #tpu.memory_space<semaphore_mem>>, %arg17: memref<!tpu.dma_semaphore, #tpu.memory_space<semaphore_mem>>, %arg18: memref<!tpu.dma_semaphore, #tpu.memory_space<semaphore_mem>>, %arg19: memref<!tpu.dma_semaphore, #tpu.memory_space<semaphore_mem>>, %arg20: memref<!tpu.dma_semaphore, #tpu.memory_space<semaphore_mem>>) attributes {dimension_semantics = [#tpu.dimension_semantics<core_parallel>, #tpu.dimension_semantics<subcore_parallel>], iteration_bounds = array<i64: 2, 16>, scalar_prefetch = 0 : i64, scratch_operands = 16 : i64, tpu.core_type = #tpu.core_type<sc_vector_subcore>, window_params = [{transform_indices = #map}, {transform_indices = #map1}, {transform_indices = #map2}]} {
    %mul3A = arith.constant 2 : i32
    %mul3A_0 = arith.muli %arg1, %mul3A : i32
    %add3A = arith.addi %mul3A_0, %arg0 : i32
    "tpu.region"() ({
      %run_scoped3A = tpu.sem_alloc : memref<!tpu.dma_semaphore, #tpu.memory_space<semaphore_mem>>
      %dma_start3A_87 = arith.constant 0 : i32
      %dma_start3A_88 = arith.constant 0 : i32
      %dma_start3A_89 = tpu.memref_slice %arg2[%add3A, %dma_start3A_87, %dma_start3A_88] : memref<32x50x128xi32, #tpu.memory_space<hbm>> -> memref<1x50x128xi32, #tpu.memory_space<hbm>>
      %dma_start3A_90 = tpu.memref_squeeze %dma_start3A_89 : memref<1x50x128xi32, #tpu.memory_space<hbm>> -> memref<50x128xi32, #tpu.memory_space<hbm>>
      %dma_start3A_91 = arith.constant 0 : i32
      %dma_start3A_92 = arith.constant 0 : i32
      %dma_start3A_93 = tpu.memref_slice %arg2[%add3A, %dma_start3A_91, %dma_start3A_92] : memref<32x50x128xi32, #tpu.memory_space<hbm>> -> memref<1x50x128xi32, #tpu.memory_space<hbm>>
      %dma_start3A_94 = tpu.memref_squeeze %dma_start3A_93 : memref<1x50x128xi32, #tpu.memory_space<hbm>> -> memref<50x128xi32, #tpu.memory_space<hbm>>
      tpu.enqueue_dma source(%dma_start3A_94 : memref<50x128xi32, #tpu.memory_space<hbm>>) target(%arg5 : memref<50x128xi32, #tpu.memory_space<vmem>>) target_semaphore(%run_scoped3A : memref<!tpu.dma_semaphore, #tpu.memory_space<semaphore_mem>>)
      %dma_wait3A_95 = arith.constant 0 : i32
      %dma_wait3A_96 = arith.constant 0 : i32
      %dma_wait3A_97 = tpu.memref_slice %arg2[%add3A, %dma_wait3A_95, %dma_wait3A_96] : memref<32x50x128xi32, #tpu.memory_space<hbm>> -> memref<1x50x128xi32, #tpu.memory_space<hbm>>
      %dma_wait3A_98 = tpu.memref_squeeze %dma_wait3A_97 : memref<1x50x128xi32, #tpu.memory_space<hbm>> -> memref<50x128xi32, #tpu.memory_space<hbm>>
      %dma_wait3A_99 = arith.constant 0 : i32
      %dma_wait3A_100 = arith.constant 0 : i32
      %dma_wait3A_101 = tpu.memref_slice %arg2[%add3A, %dma_wait3A_99, %dma_wait3A_100] : memref<32x50x128xi32, #tpu.memory_space<hbm>> -> memref<1x50x128xi32, #tpu.memory_space<hbm>>
      %dma_wait3A_102 = tpu.memref_squeeze %dma_wait3A_101 : memref<1x50x128xi32, #tpu.memory_space<hbm>> -> memref<50x128xi32, #tpu.memory_space<hbm>>
      tpu.wait_dma2 semaphore(%run_scoped3A : memref<!tpu.dma_semaphore, #tpu.memory_space<semaphore_mem>>) src(%dma_wait3A_102 : memref<50x128xi32, #tpu.memory_space<hbm>>) dst(%arg5 : memref<50x128xi32, #tpu.memory_space<vmem>>)
      tpu.yield
    }) : () -> ()
    %dma_start3A = arith.constant 0 : i32
    %dma_start3A_1 = arith.constant 0 : i32
    %dma_start3A_2 = tpu.memref_slice %arg5[%dma_start3A, %dma_start3A_1] : memref<50x128xi32, #tpu.memory_space<vmem>> -> memref<1x128xi32, #tpu.memory_space<vmem>>
    %dma_start3A_3 = tpu.memref_squeeze %dma_start3A_2 : memref<1x128xi32, #tpu.memory_space<vmem>> -> memref<128xi32, #tpu.memory_space<vmem>>
    %dma_start3A_4 = arith.constant 0 : i32
    %dma_start3A_5 = arith.constant 0 : i32
    %dma_start3A_6 = tpu.memref_slice %arg3[%dma_start3A_4, %dma_start3A_5] : memref<100000x128xf32, #tpu.memory_space<hbm>> -> memref<100000x128xf32, #tpu.memory_space<hbm>>
    tpu.enqueue_indirect_dma source(%dma_start3A_6 : memref<100000x128xf32, #tpu.memory_space<hbm>>) target(%arg6 : memref<128x128xf32, #tpu.memory_space<vmem>>) offsets(%dma_start3A_3 : memref<128xi32, #tpu.memory_space<vmem>>) semaphore(%arg11 : memref<!tpu.dma_semaphore, #tpu.memory_space<semaphore_mem>>)
    %dma_start3A_7 = arith.constant 1 : i32
    %dma_start3A_8 = arith.constant 0 : i32
    %dma_start3A_9 = tpu.memref_slice %arg5[%dma_start3A_7, %dma_start3A_8] : memref<50x128xi32, #tpu.memory_space<vmem>> -> memref<1x128xi32, #tpu.memory_space<vmem>>
    %dma_start3A_10 = tpu.memref_squeeze %dma_start3A_9 : memref<1x128xi32, #tpu.memory_space<vmem>> -> memref<128xi32, #tpu.memory_space<vmem>>
    %dma_start3A_11 = arith.constant 0 : i32
    %dma_start3A_12 = arith.constant 0 : i32
    %dma_start3A_13 = tpu.memref_slice %arg3[%dma_start3A_11, %dma_start3A_12] : memref<100000x128xf32, #tpu.memory_space<hbm>> -> memref<100000x128xf32, #tpu.memory_space<hbm>>
    tpu.enqueue_indirect_dma source(%dma_start3A_13 : memref<100000x128xf32, #tpu.memory_space<hbm>>) target(%arg7 : memref<128x128xf32, #tpu.memory_space<vmem>>) offsets(%dma_start3A_10 : memref<128xi32, #tpu.memory_space<vmem>>) semaphore(%arg12 : memref<!tpu.dma_semaphore, #tpu.memory_space<semaphore_mem>>)
    %dma_start3A_14 = arith.constant 2 : i32
    %dma_start3A_15 = arith.constant 0 : i32
    %dma_start3A_16 = tpu.memref_slice %arg5[%dma_start3A_14, %dma_start3A_15] : memref<50x128xi32, #tpu.memory_space<vmem>> -> memref<1x128xi32, #tpu.memory_space<vmem>>
    %dma_start3A_17 = tpu.memref_squeeze %dma_start3A_16 : memref<1x128xi32, #tpu.memory_space<vmem>> -> memref<128xi32, #tpu.memory_space<vmem>>
    %dma_start3A_18 = arith.constant 0 : i32
    %dma_start3A_19 = arith.constant 0 : i32
    %dma_start3A_20 = tpu.memref_slice %arg3[%dma_start3A_18, %dma_start3A_19] : memref<100000x128xf32, #tpu.memory_space<hbm>> -> memref<100000x128xf32, #tpu.memory_space<hbm>>
    tpu.enqueue_indirect_dma source(%dma_start3A_20 : memref<100000x128xf32, #tpu.memory_space<hbm>>) target(%arg8 : memref<128x128xf32, #tpu.memory_space<vmem>>) offsets(%dma_start3A_17 : memref<128xi32, #tpu.memory_space<vmem>>) semaphore(%arg13 : memref<!tpu.dma_semaphore, #tpu.memory_space<semaphore_mem>>)
    %dma_wait3A = arith.constant 0 : i32
    %dma_wait3A_21 = arith.constant 0 : i32
    %dma_wait3A_22 = tpu.memref_slice %arg5[%dma_wait3A, %dma_wait3A_21] : memref<50x128xi32, #tpu.memory_space<vmem>> -> memref<1x128xi32, #tpu.memory_space<vmem>>
    %dma_wait3A_23 = tpu.memref_squeeze %dma_wait3A_22 : memref<1x128xi32, #tpu.memory_space<vmem>> -> memref<128xi32, #tpu.memory_space<vmem>>
    %dma_wait3A_24 = arith.constant 0 : i32
    %dma_wait3A_25 = arith.constant 0 : i32
    %dma_wait3A_26 = tpu.memref_slice %arg3[%dma_wait3A_24, %dma_wait3A_25] : memref<100000x128xf32, #tpu.memory_space<hbm>> -> memref<100000x128xf32, #tpu.memory_space<hbm>>
    tpu.wait_indirect_dma semaphore(%arg11 : memref<!tpu.dma_semaphore, #tpu.memory_space<semaphore_mem>>) src(%dma_wait3A_26 : memref<100000x128xf32, #tpu.memory_space<hbm>>) dst(%arg6 : memref<128x128xf32, #tpu.memory_space<vmem>>)
    %scan3A = arith.constant 0 : i32
    %scan3A_27 = arith.constant 0 : i32
    %scan3A_28 = arith.constant 10 : i32
    %scan3A_29 = arith.addi %scan3A_27, %scan3A_28 : i32
    %scan3A_30 = arith.constant 1 : i32
    %scan3A_31 = scf.for %scan3A_87 = %scan3A_27 to %scan3A_29 step %scan3A_30 iter_args(%scan3A_88 = %scan3A) -> (i32)  : i32 {
      %mul3A_89 = arith.constant 5 : i32
      %mul3A_90 = arith.muli %scan3A_87, %mul3A_89 : i32
      %add3A_91 = arith.constant 0 : i32
      %add3A_92 = arith.addi %mul3A_90, %add3A_91 : i32
      %add3A_93 = arith.constant 3 : i32
      %add3A_94 = arith.addi %add3A_92, %add3A_93 : i32
      %lt3A = arith.constant 50 : i32
      %lt3A_95 = arith.cmpi slt, %add3A_94, %lt3A : i32
      %convert_element_type3A = arith.extui %lt3A_95 : i1 to i32
      %cond3A = arith.constant 0 : i32
      %cond3A_96 = arith.cmpi ne, %convert_element_type3A, %cond3A : i32
      scf.if %cond3A_96 {
        %add3A_228 = arith.constant 3 : i32
        %add3A_229 = arith.addi %add3A_92, %add3A_228 : i32
        %ge3A_230 = arith.constant 5 : i32
        %ge3A_231 = arith.cmpi sge, %add3A_229, %ge3A_230 : i32
        %convert_element_type3A_232 = arith.extui %ge3A_231 : i1 to i32
        %cond3A_233 = arith.constant 0 : i32
        %cond3A_234 = arith.cmpi ne, %convert_element_type3A_232, %cond3A_233 : i32
        scf.if %cond3A_234 {
          %add3A_243 = arith.constant 3 : i32
          %add3A_244 = arith.addi %add3A_92, %add3A_243 : i32
          %sub3A = arith.constant 5 : i32
          %sub3A_245 = arith.subi %add3A_244, %sub3A : i32
          %dma_wait3A_246 = arith.constant 0 : i32
          %dma_wait3A_247 = arith.constant 0 : i32
          %dma_wait3A_248 = tpu.memref_slice %arg4[%add3A, %sub3A_245, %dma_wait3A_246, %dma_wait3A_247] : memref<32x50x128x128xf32, #tpu.memory_space<hbm>> -> memref<1x1x128x128xf32, #tpu.memory_space<hbm>>
          %dma_wait3A_249 = tpu.memref_squeeze %dma_wait3A_248 : memref<1x1x128x128xf32, #tpu.memory_space<hbm>> -> memref<128x128xf32, #tpu.memory_space<hbm>>
          %dma_wait3A_250 = arith.constant 0 : i32
          %dma_wait3A_251 = arith.constant 0 : i32
          %dma_wait3A_252 = tpu.memref_slice %arg4[%add3A, %sub3A_245, %dma_wait3A_250, %dma_wait3A_251] : memref<32x50x128x128xf32, #tpu.memory_space<hbm>> -> memref<1x1x128x128xf32, #tpu.memory_space<hbm>>
          %dma_wait3A_253 = tpu.memref_squeeze %dma_wait3A_252 : memref<1x1x128x128xf32, #tpu.memory_space<hbm>> -> memref<128x128xf32, #tpu.memory_space<hbm>>
          tpu.wait_dma2 semaphore(%arg19 : memref<!tpu.dma_semaphore, #tpu.memory_space<semaphore_mem>>) src(%arg9 : memref<128x128xf32, #tpu.memory_space<vmem>>) dst(%dma_wait3A_253 : memref<128x128xf32, #tpu.memory_space<hbm>>)
        } else {
        }
        %add3A_235 = arith.constant 3 : i32
        %add3A_236 = arith.addi %add3A_92, %add3A_235 : i32
        %dma_start3A_237 = arith.constant 0 : i32
        %dma_start3A_238 = tpu.memref_slice %arg5[%add3A_236, %dma_start3A_237] : memref<50x128xi32, #tpu.memory_space<vmem>> -> memref<1x128xi32, #tpu.memory_space<vmem>>
        %dma_start3A_239 = tpu.memref_squeeze %dma_start3A_238 : memref<1x128xi32, #tpu.memory_space<vmem>> -> memref<128xi32, #tpu.memory_space<vmem>>
        %dma_start3A_240 = arith.constant 0 : i32
        %dma_start3A_241 = arith.constant 0 : i32
        %dma_start3A_242 = tpu.memref_slice %arg3[%dma_start3A_240, %dma_start3A_241] : memref<100000x128xf32, #tpu.memory_space<hbm>> -> memref<100000x128xf32, #tpu.memory_space<hbm>>
        tpu.enqueue_indirect_dma source(%dma_start3A_242 : memref<100000x128xf32, #tpu.memory_space<hbm>>) target(%arg9 : memref<128x128xf32, #tpu.memory_space<vmem>>) offsets(%dma_start3A_239 : memref<128xi32, #tpu.memory_space<vmem>>) semaphore(%arg14 : memref<!tpu.dma_semaphore, #tpu.memory_space<semaphore_mem>>)
      } else {
      }
      %add3A_97 = arith.constant 1 : i32
      %add3A_98 = arith.addi %add3A_92, %add3A_97 : i32
      %lt3A_99 = arith.constant 50 : i32
      %lt3A_100 = arith.cmpi slt, %add3A_98, %lt3A_99 : i32
      %convert_element_type3A_101 = arith.extui %lt3A_100 : i1 to i32
      %cond3A_102 = arith.constant 0 : i32
      %cond3A_103 = arith.cmpi ne, %convert_element_type3A_101, %cond3A_102 : i32
      scf.if %cond3A_103 {
        %add3A_228 = arith.constant 1 : i32
        %add3A_229 = arith.addi %add3A_92, %add3A_228 : i32
        %dma_wait3A_230 = arith.constant 0 : i32
        %dma_wait3A_231 = tpu.memref_slice %arg5[%add3A_229, %dma_wait3A_230] : memref<50x128xi32, #tpu.memory_space<vmem>> -> memref<1x128xi32, #tpu.memory_space<vmem>>
        %dma_wait3A_232 = tpu.memref_squeeze %dma_wait3A_231 : memref<1x128xi32, #tpu.memory_space<vmem>> -> memref<128xi32, #tpu.memory_space<vmem>>
        %dma_wait3A_233 = arith.constant 0 : i32
        %dma_wait3A_234 = arith.constant 0 : i32
        %dma_wait3A_235 = tpu.memref_slice %arg3[%dma_wait3A_233, %dma_wait3A_234] : memref<100000x128xf32, #tpu.memory_space<hbm>> -> memref<100000x128xf32, #tpu.memory_space<hbm>>
        tpu.wait_indirect_dma semaphore(%arg12 : memref<!tpu.dma_semaphore, #tpu.memory_space<semaphore_mem>>) src(%dma_wait3A_235 : memref<100000x128xf32, #tpu.memory_space<hbm>>) dst(%arg7 : memref<128x128xf32, #tpu.memory_space<vmem>>)
      } else {
      }
      %scan3A_104 = arith.constant 0 : i32
      %scan3A_105 = arith.constant 0 : i32
      %scan3A_106 = arith.constant 128 : i32
      %scan3A_107 = arith.addi %scan3A_105, %scan3A_106 : i32
      %scan3A_108 = arith.constant 1 : i32
      %scan3A_109 = scf.for %scan3A_228 = %scan3A_105 to %scan3A_107 step %scan3A_108 iter_args(%scan3A_229 = %scan3A_104) -> (i32)  : i32 {
        %get3A = arith.index_cast %scan3A_228 : i32 to index
        %get3A_230 = arith.constant 0 : index
        %get3A_231 = tpu.vector_load %arg6[%get3A, %get3A_230] {strides = array<i32>} : memref<128x128xf32, #tpu.memory_space<vmem>>, vector<1x16xf32>,
        %get3A_232 = vector.shape_cast %get3A_231 : vector<1x16xf32> to vector<16xf32>
        %mul3A_233 = arith.constant 11.3137083 : f32
        %mul3A_234 = vector.broadcast %mul3A_233 : f32 to vector<16xf32>
        %mul3A_235 = arith.mulf %get3A_232, %mul3A_234 : vector<16xf32>
        %swap3A = arith.index_cast %scan3A_228 : i32 to index
        %swap3A_236 = arith.constant 0 : index
        %swap3A_237 = tpu.vector_load %arg6[%swap3A, %swap3A_236] {strides = array<i32>} : memref<128x128xf32, #tpu.memory_space<vmem>>, vector<1x16xf32>,
        %swap3A_238 = vector.shape_cast %swap3A_237 : vector<1x16xf32> to vector<16xf32>
        %swap3A_239 = vector.shape_cast %mul3A_235 : vector<16xf32> to vector<1x16xf32>
        tpu.vector_store %arg6[%swap3A, %swap3A_236], %swap3A_239 {strides = array<i32>} : memref<128x128xf32, #tpu.memory_space<vmem>>, vector<1x16xf32>,
        %get3A_240 = arith.index_cast %scan3A_228 : i32 to index
        %get3A_241 = arith.constant 16 : index
        %get3A_242 = tpu.vector_load %arg6[%get3A_240, %get3A_241] {strides = array<i32>} : memref<128x128xf32, #tpu.memory_space<vmem>>, vector<1x16xf32>,
        %get3A_243 = vector.shape_cast %get3A_242 : vector<1x16xf32> to vector<16xf32>
        %mul3A_244 = arith.constant 11.3137083 : f32
        %mul3A_245 = vector.broadcast %mul3A_244 : f32 to vector<16xf32>
        %mul3A_246 = arith.mulf %get3A_243, %mul3A_245 : vector<16xf32>
        %swap3A_247 = arith.index_cast %scan3A_228 : i32 to index
        %swap3A_248 = arith.constant 16 : index
        %swap3A_249 = tpu.vector_load %arg6[%swap3A_247, %swap3A_248] {strides = array<i32>} : memref<128x128xf32, #tpu.memory_space<vmem>>, vector<1x16xf32>,
        %swap3A_250 = vector.shape_cast %swap3A_249 : vector<1x16xf32> to vector<16xf32>
        %swap3A_251 = vector.shape_cast %mul3A_246 : vector<16xf32> to vector<1x16xf32>
        tpu.vector_store %arg6[%swap3A_247, %swap3A_248], %swap3A_251 {strides = array<i32>} : memref<128x128xf32, #tpu.memory_space<vmem>>, vector<1x16xf32>,
        %get3A_252 = arith.index_cast %scan3A_228 : i32 to index
        %get3A_253 = arith.constant 32 : index
        %get3A_254 = tpu.vector_load %arg6[%get3A_252, %get3A_253] {strides = array<i32>} : memref<128x128xf32, #tpu.memory_space<vmem>>, vector<1x16xf32>,
        %get3A_255 = vector.shape_cast %get3A_254 : vector<1x16xf32> to vector<16xf32>
        %mul3A_256 = arith.constant 11.3137083 : f32
        %mul3A_257 = vector.broadcast %mul3A_256 : f32 to vector<16xf32>
        %mul3A_258 = arith.mulf %get3A_255, %mul3A_257 : vector<16xf32>
        %swap3A_259 = arith.index_cast %scan3A_228 : i32 to index
        %swap3A_260 = arith.constant 32 : index
        %swap3A_261 = tpu.vector_load %arg6[%swap3A_259, %swap3A_260] {strides = array<i32>} : memref<128x128xf32, #tpu.memory_space<vmem>>, vector<1x16xf32>,
        %swap3A_262 = vector.shape_cast %swap3A_261 : vector<1x16xf32> to vector<16xf32>
        %swap3A_263 = vector.shape_cast %mul3A_258 : vector<16xf32> to vector<1x16xf32>
        tpu.vector_store %arg6[%swap3A_259, %swap3A_260], %swap3A_263 {strides = array<i32>} : memref<128x128xf32, #tpu.memory_space<vmem>>, vector<1x16xf32>,
        %get3A_264 = arith.index_cast %scan3A_228 : i32 to index
        %get3A_265 = arith.constant 48 : index
        %get3A_266 = tpu.vector_load %arg6[%get3A_264, %get3A_265] {strides = array<i32>} : memref<128x128xf32, #tpu.memory_space<vmem>>, vector<1x16xf32>,
        %get3A_267 = vector.shape_cast %get3A_266 : vector<1x16xf32> to vector<16xf32>
        %mul3A_268 = arith.constant 11.3137083 : f32
        %mul3A_269 = vector.broadcast %mul3A_268 : f32 to vector<16xf32>
        %mul3A_270 = arith.mulf %get3A_267, %mul3A_269 : vector<16xf32>
        %swap3A_271 = arith.index_cast %scan3A_228 : i32 to index
        %swap3A_272 = arith.constant 48 : index
        %swap3A_273 = tpu.vector_load %arg6[%swap3A_271, %swap3A_272] {strides = array<i32>} : memref<128x128xf32, #tpu.memory_space<vmem>>, vector<1x16xf32>,
        %swap3A_274 = vector.shape_cast %swap3A_273 : vector<1x16xf32> to vector<16xf32>
        %swap3A_275 = vector.shape_cast %mul3A_270 : vector<16xf32> to vector<1x16xf32>
        tpu.vector_store %arg6[%swap3A_271, %swap3A_272], %swap3A_275 {strides = array<i32>} : memref<128x128xf32, #tpu.memory_space<vmem>>, vector<1x16xf32>,
        %get3A_276 = arith.index_cast %scan3A_228 : i32 to index
        %get3A_277 = arith.constant 64 : index
        %get3A_278 = tpu.vector_load %arg6[%get3A_276, %get3A_277] {strides = array<i32>} : memref<128x128xf32, #tpu.memory_space<vmem>>, vector<1x16xf32>,
        %get3A_279 = vector.shape_cast %get3A_278 : vector<1x16xf32> to vector<16xf32>
        %mul3A_280 = arith.constant 11.3137083 : f32
        %mul3A_281 = vector.broadcast %mul3A_280 : f32 to vector<16xf32>
        %mul3A_282 = arith.mulf %get3A_279, %mul3A_281 : vector<16xf32>
        %swap3A_283 = arith.index_cast %scan3A_228 : i32 to index
        %swap3A_284 = arith.constant 64 : index
        %swap3A_285 = tpu.vector_load %arg6[%swap3A_283, %swap3A_284] {strides = array<i32>} : memref<128x128xf32, #tpu.memory_space<vmem>>, vector<1x16xf32>,
        %swap3A_286 = vector.shape_cast %swap3A_285 : vector<1x16xf32> to vector<16xf32>
        %swap3A_287 = vector.shape_cast %mul3A_282 : vector<16xf32> to vector<1x16xf32>
        tpu.vector_store %arg6[%swap3A_283, %swap3A_284], %swap3A_287 {strides = array<i32>} : memref<128x128xf32, #tpu.memory_space<vmem>>, vector<1x16xf32>,
        %get3A_288 = arith.index_cast %scan3A_228 : i32 to index
        %get3A_289 = arith.constant 80 : index
        %get3A_290 = tpu.vector_load %arg6[%get3A_288, %get3A_289] {strides = array<i32>} : memref<128x128xf32, #tpu.memory_space<vmem>>, vector<1x16xf32>,
        %get3A_291 = vector.shape_cast %get3A_290 : vector<1x16xf32> to vector<16xf32>
        %mul3A_292 = arith.constant 11.3137083 : f32
        %mul3A_293 = vector.broadcast %mul3A_292 : f32 to vector<16xf32>
        %mul3A_294 = arith.mulf %get3A_291, %mul3A_293 : vector<16xf32>
        %swap3A_295 = arith.index_cast %scan3A_228 : i32 to index
        %swap3A_296 = arith.constant 80 : index
        %swap3A_297 = tpu.vector_load %arg6[%swap3A_295, %swap3A_296] {strides = array<i32>} : memref<128x128xf32, #tpu.memory_space<vmem>>, vector<1x16xf32>,
        %swap3A_298 = vector.shape_cast %swap3A_297 : vector<1x16xf32> to vector<16xf32>
        %swap3A_299 = vector.shape_cast %mul3A_294 : vector<16xf32> to vector<1x16xf32>
        tpu.vector_store %arg6[%swap3A_295, %swap3A_296], %swap3A_299 {strides = array<i32>} : memref<128x128xf32, #tpu.memory_space<vmem>>, vector<1x16xf32>,
        %get3A_300 = arith.index_cast %scan3A_228 : i32 to index
        %get3A_301 = arith.constant 96 : index
        %get3A_302 = tpu.vector_load %arg6[%get3A_300, %get3A_301] {strides = array<i32>} : memref<128x128xf32, #tpu.memory_space<vmem>>, vector<1x16xf32>,
        %get3A_303 = vector.shape_cast %get3A_302 : vector<1x16xf32> to vector<16xf32>
        %mul3A_304 = arith.constant 11.3137083 : f32
        %mul3A_305 = vector.broadcast %mul3A_304 : f32 to vector<16xf32>
        %mul3A_306 = arith.mulf %get3A_303, %mul3A_305 : vector<16xf32>
        %swap3A_307 = arith.index_cast %scan3A_228 : i32 to index
        %swap3A_308 = arith.constant 96 : index
        %swap3A_309 = tpu.vector_load %arg6[%swap3A_307, %swap3A_308] {strides = array<i32>} : memref<128x128xf32, #tpu.memory_space<vmem>>, vector<1x16xf32>,
        %swap3A_310 = vector.shape_cast %swap3A_309 : vector<1x16xf32> to vector<16xf32>
        %swap3A_311 = vector.shape_cast %mul3A_306 : vector<16xf32> to vector<1x16xf32>
        tpu.vector_store %arg6[%swap3A_307, %swap3A_308], %swap3A_311 {strides = array<i32>} : memref<128x128xf32, #tpu.memory_space<vmem>>, vector<1x16xf32>,
        %get3A_312 = arith.index_cast %scan3A_228 : i32 to index
        %get3A_313 = arith.constant 112 : index
        %get3A_314 = tpu.vector_load %arg6[%get3A_312, %get3A_313] {strides = array<i32>} : memref<128x128xf32, #tpu.memory_space<vmem>>, vector<1x16xf32>,
        %get3A_315 = vector.shape_cast %get3A_314 : vector<1x16xf32> to vector<16xf32>
        %mul3A_316 = arith.constant 11.3137083 : f32
        %mul3A_317 = vector.broadcast %mul3A_316 : f32 to vector<16xf32>
        %mul3A_318 = arith.mulf %get3A_315, %mul3A_317 : vector<16xf32>
        %swap3A_319 = arith.index_cast %scan3A_228 : i32 to index
        %swap3A_320 = arith.constant 112 : index
        %swap3A_321 = tpu.vector_load %arg6[%swap3A_319, %swap3A_320] {strides = array<i32>} : memref<128x128xf32, #tpu.memory_space<vmem>>, vector<1x16xf32>,
        %swap3A_322 = vector.shape_cast %swap3A_321 : vector<1x16xf32> to vector<16xf32>
        %swap3A_323 = vector.shape_cast %mul3A_318 : vector<16xf32> to vector<1x16xf32>
        tpu.vector_store %arg6[%swap3A_319, %swap3A_320], %swap3A_323 {strides = array<i32>} : memref<128x128xf32, #tpu.memory_space<vmem>>, vector<1x16xf32>,
        %scan3A_324 = arith.constant 0 : i32
        scf.yield %scan3A_324 : i32
      }
      %scan3A_110 = arith.constant 128 : i32
      %ge3A = arith.constant 1 : i32
      %ge3A_111 = arith.cmpi sge, %add3A_92, %ge3A : i32
      %convert_element_type3A_112 = arith.extui %ge3A_111 : i1 to i32
      %cond3A_113 = arith.constant 0 : i32
      %cond3A_114 = arith.cmpi ne, %convert_element_type3A_112, %cond3A_113 : i32
      scf.if %cond3A_114 {
        %sub3A = arith.constant 1 : i32
        %sub3A_228 = arith.subi %add3A_92, %sub3A : i32
        %dma_start3A_229 = arith.constant 0 : i32
        %dma_start3A_230 = arith.constant 0 : i32
        %dma_start3A_231 = tpu.memref_slice %arg4[%add3A, %sub3A_228, %dma_start3A_229, %dma_start3A_230] : memref<32x50x128x128xf32, #tpu.memory_space<hbm>> -> memref<1x1x128x128xf32, #tpu.memory_space<hbm>>
        %dma_start3A_232 = tpu.memref_squeeze %dma_start3A_231 : memref<1x1x128x128xf32, #tpu.memory_space<hbm>> -> memref<128x128xf32, #tpu.memory_space<hbm>>
        %dma_start3A_233 = arith.constant 0 : i32
        %dma_start3A_234 = arith.constant 0 : i32
        %dma_start3A_235 = tpu.memref_slice %arg4[%add3A, %sub3A_228, %dma_start3A_233, %dma_start3A_234] : memref<32x50x128x128xf32, #tpu.memory_space<hbm>> -> memref<1x1x128x128xf32, #tpu.memory_space<hbm>>
        %dma_start3A_236 = tpu.memref_squeeze %dma_start3A_235 : memref<1x1x128x128xf32, #tpu.memory_space<hbm>> -> memref<128x128xf32, #tpu.memory_space<hbm>>
        tpu.enqueue_dma source(%arg10 : memref<128x128xf32, #tpu.memory_space<vmem>>) target(%dma_start3A_236 : memref<128x128xf32, #tpu.memory_space<hbm>>) target_semaphore(%arg20 : memref<!tpu.dma_semaphore, #tpu.memory_space<semaphore_mem>>)
      } else {
      }
      %add3A_115 = arith.constant 1 : i32
      %add3A_116 = arith.addi %mul3A_90, %add3A_115 : i32
      %add3A_117 = arith.constant 3 : i32
      %add3A_118 = arith.addi %add3A_116, %add3A_117 : i32
      %lt3A_119 = arith.constant 50 : i32
      %lt3A_120 = arith.cmpi slt, %add3A_118, %lt3A_119 : i32
      %convert_element_type3A_121 = arith.extui %lt3A_120 : i1 to i32
      %cond3A_122 = arith.constant 0 : i32
      %cond3A_123 = arith.cmpi ne, %convert_element_type3A_121, %cond3A_122 : i32
      scf.if %cond3A_123 {
        %add3A_228 = arith.constant 3 : i32
        %add3A_229 = arith.addi %add3A_116, %add3A_228 : i32
        %ge3A_230 = arith.constant 5 : i32
        %ge3A_231 = arith.cmpi sge, %add3A_229, %ge3A_230 : i32
        %convert_element_type3A_232 = arith.extui %ge3A_231 : i1 to i32
        %cond3A_233 = arith.constant 0 : i32
        %cond3A_234 = arith.cmpi ne, %convert_element_type3A_232, %cond3A_233 : i32
        scf.if %cond3A_234 {
          %add3A_243 = arith.constant 3 : i32
          %add3A_244 = arith.addi %add3A_116, %add3A_243 : i32
          %sub3A = arith.constant 5 : i32
          %sub3A_245 = arith.subi %add3A_244, %sub3A : i32
          %dma_wait3A_246 = arith.constant 0 : i32
          %dma_wait3A_247 = arith.constant 0 : i32
          %dma_wait3A_248 = tpu.memref_slice %arg4[%add3A, %sub3A_245, %dma_wait3A_246, %dma_wait3A_247] : memref<32x50x128x128xf32, #tpu.memory_space<hbm>> -> memref<1x1x128x128xf32, #tpu.memory_space<hbm>>
          %dma_wait3A_249 = tpu.memref_squeeze %dma_wait3A_248 : memref<1x1x128x128xf32, #tpu.memory_space<hbm>> -> memref<128x128xf32, #tpu.memory_space<hbm>>
          %dma_wait3A_250 = arith.constant 0 : i32
          %dma_wait3A_251 = arith.constant 0 : i32
          %dma_wait3A_252 = tpu.memref_slice %arg4[%add3A, %sub3A_245, %dma_wait3A_250, %dma_wait3A_251] : memref<32x50x128x128xf32, #tpu.memory_space<hbm>> -> memref<1x1x128x128xf32, #tpu.memory_space<hbm>>
          %dma_wait3A_253 = tpu.memref_squeeze %dma_wait3A_252 : memref<1x1x128x128xf32, #tpu.memory_space<hbm>> -> memref<128x128xf32, #tpu.memory_space<hbm>>
          tpu.wait_dma2 semaphore(%arg20 : memref<!tpu.dma_semaphore, #tpu.memory_space<semaphore_mem>>) src(%arg10 : memref<128x128xf32, #tpu.memory_space<vmem>>) dst(%dma_wait3A_253 : memref<128x128xf32, #tpu.memory_space<hbm>>)
        } else {
        }
        %add3A_235 = arith.constant 3 : i32
        %add3A_236 = arith.addi %add3A_116, %add3A_235 : i32
        %dma_start3A_237 = arith.constant 0 : i32
        %dma_start3A_238 = tpu.memref_slice %arg5[%add3A_236, %dma_start3A_237] : memref<50x128xi32, #tpu.memory_space<vmem>> -> memref<1x128xi32, #tpu.memory_space<vmem>>
        %dma_start3A_239 = tpu.memref_squeeze %dma_start3A_238 : memref<1x128xi32, #tpu.memory_space<vmem>> -> memref<128xi32, #tpu.memory_space<vmem>>
        %dma_start3A_240 = arith.constant 0 : i32
        %dma_start3A_241 = arith.constant 0 : i32
        %dma_start3A_242 = tpu.memref_slice %arg3[%dma_start3A_240, %dma_start3A_241] : memref<100000x128xf32, #tpu.memory_space<hbm>> -> memref<100000x128xf32, #tpu.memory_space<hbm>>
        tpu.enqueue_indirect_dma source(%dma_start3A_242 : memref<100000x128xf32, #tpu.memory_space<hbm>>) target(%arg10 : memref<128x128xf32, #tpu.memory_space<vmem>>) offsets(%dma_start3A_239 : memref<128xi32, #tpu.memory_space<vmem>>) semaphore(%arg15 : memref<!tpu.dma_semaphore, #tpu.memory_space<semaphore_mem>>)
      } else {
      }
      %add3A_124 = arith.constant 1 : i32
      %add3A_125 = arith.addi %add3A_116, %add3A_124 : i32
      %lt3A_126 = arith.constant 50 : i32
      %lt3A_127 = arith.cmpi slt, %add3A_125, %lt3A_126 : i32
      %convert_element_type3A_128 = arith.extui %lt3A_127 : i1 to i32
      %cond3A_129 = arith.constant 0 : i32
      %cond3A_130 = arith.cmpi ne, %convert_element_type3A_128, %cond3A_129 : i32
      scf.if %cond3A_130 {
        %add3A_228 = arith.constant 1 : i32
        %add3A_229 = arith.addi %add3A_116, %add3A_228 : i32
        %dma_wait3A_230 = arith.constant 0 : i32
        %dma_wait3A_231 = tpu.memref_slice %arg5[%add3A_229, %dma_wait3A_230] : memref<50x128xi32, #tpu.memory_space<vmem>> -> memref<1x128xi32, #tpu.memory_space<vmem>>
        %dma_wait3A_232 = tpu.memref_squeeze %dma_wait3A_231 : memref<1x128xi32, #tpu.memory_space<vmem>> -> memref<128xi32, #tpu.memory_space<vmem>>
        %dma_wait3A_233 = arith.constant 0 : i32
        %dma_wait3A_234 = arith.constant 0 : i32
        %dma_wait3A_235 = tpu.memref_slice %arg3[%dma_wait3A_233, %dma_wait3A_234] : memref<100000x128xf32, #tpu.memory_space<hbm>> -> memref<100000x128xf32, #tpu.memory_space<hbm>>
        tpu.wait_indirect_dma semaphore(%arg13 : memref<!tpu.dma_semaphore, #tpu.memory_space<semaphore_mem>>) src(%dma_wait3A_235 : memref<100000x128xf32, #tpu.memory_space<hbm>>) dst(%arg8 : memref<128x128xf32, #tpu.memory_space<vmem>>)
      } else {
      }
      %scan3A_131 = arith.constant 0 : i32
      %scan3A_132 = arith.constant 0 : i32
      %scan3A_133 = arith.constant 128 : i32
      %scan3A_134 = arith.addi %scan3A_132, %scan3A_133 : i32
      %scan3A_135 = arith.constant 1 : i32
      %scan3A_136 = scf.for %scan3A_228 = %scan3A_132 to %scan3A_134 step %scan3A_135 iter_args(%scan3A_229 = %scan3A_131) -> (i32)  : i32 {
        %get3A = arith.index_cast %scan3A_228 : i32 to index
        %get3A_230 = arith.constant 0 : index
        %get3A_231 = tpu.vector_load %arg7[%get3A, %get3A_230] {strides = array<i32>} : memref<128x128xf32, #tpu.memory_space<vmem>>, vector<1x16xf32>,
        %get3A_232 = vector.shape_cast %get3A_231 : vector<1x16xf32> to vector<16xf32>
        %mul3A_233 = arith.constant 11.3137083 : f32
        %mul3A_234 = vector.broadcast %mul3A_233 : f32 to vector<16xf32>
        %mul3A_235 = arith.mulf %get3A_232, %mul3A_234 : vector<16xf32>
        %swap3A = arith.index_cast %scan3A_228 : i32 to index
        %swap3A_236 = arith.constant 0 : index
        %swap3A_237 = tpu.vector_load %arg7[%swap3A, %swap3A_236] {strides = array<i32>} : memref<128x128xf32, #tpu.memory_space<vmem>>, vector<1x16xf32>,
        %swap3A_238 = vector.shape_cast %swap3A_237 : vector<1x16xf32> to vector<16xf32>
        %swap3A_239 = vector.shape_cast %mul3A_235 : vector<16xf32> to vector<1x16xf32>
        tpu.vector_store %arg7[%swap3A, %swap3A_236], %swap3A_239 {strides = array<i32>} : memref<128x128xf32, #tpu.memory_space<vmem>>, vector<1x16xf32>,
        %get3A_240 = arith.index_cast %scan3A_228 : i32 to index
        %get3A_241 = arith.constant 16 : index
        %get3A_242 = tpu.vector_load %arg7[%get3A_240, %get3A_241] {strides = array<i32>} : memref<128x128xf32, #tpu.memory_space<vmem>>, vector<1x16xf32>,
        %get3A_243 = vector.shape_cast %get3A_242 : vector<1x16xf32> to vector<16xf32>
        %mul3A_244 = arith.constant 11.3137083 : f32
        %mul3A_245 = vector.broadcast %mul3A_244 : f32 to vector<16xf32>
        %mul3A_246 = arith.mulf %get3A_243, %mul3A_245 : vector<16xf32>
        %swap3A_247 = arith.index_cast %scan3A_228 : i32 to index
        %swap3A_248 = arith.constant 16 : index
        %swap3A_249 = tpu.vector_load %arg7[%swap3A_247, %swap3A_248] {strides = array<i32>} : memref<128x128xf32, #tpu.memory_space<vmem>>, vector<1x16xf32>,
        %swap3A_250 = vector.shape_cast %swap3A_249 : vector<1x16xf32> to vector<16xf32>
        %swap3A_251 = vector.shape_cast %mul3A_246 : vector<16xf32> to vector<1x16xf32>
        tpu.vector_store %arg7[%swap3A_247, %swap3A_248], %swap3A_251 {strides = array<i32>} : memref<128x128xf32, #tpu.memory_space<vmem>>, vector<1x16xf32>,
        %get3A_252 = arith.index_cast %scan3A_228 : i32 to index
        %get3A_253 = arith.constant 32 : index
        %get3A_254 = tpu.vector_load %arg7[%get3A_252, %get3A_253] {strides = array<i32>} : memref<128x128xf32, #tpu.memory_space<vmem>>, vector<1x16xf32>,
        %get3A_255 = vector.shape_cast %get3A_254 : vector<1x16xf32> to vector<16xf32>
        %mul3A_256 = arith.constant 11.3137083 : f32
        %mul3A_257 = vector.broadcast %mul3A_256 : f32 to vector<16xf32>
        %mul3A_258 = arith.mulf %get3A_255, %mul3A_257 : vector<16xf32>
        %swap3A_259 = arith.index_cast %scan3A_228 : i32 to index
        %swap3A_260 = arith.constant 32 : index
        %swap3A_261 = tpu.vector_load %arg7[%swap3A_259, %swap3A_260] {strides = array<i32>} : memref<128x128xf32, #tpu.memory_space<vmem>>, vector<1x16xf32>,
        %swap3A_262 = vector.shape_cast %swap3A_261 : vector<1x16xf32> to vector<16xf32>
        %swap3A_263 = vector.shape_cast %mul3A_258 : vector<16xf32> to vector<1x16xf32>
        tpu.vector_store %arg7[%swap3A_259, %swap3A_260], %swap3A_263 {strides = array<i32>} : memref<128x128xf32, #tpu.memory_space<vmem>>, vector<1x16xf32>,
        %get3A_264 = arith.index_cast %scan3A_228 : i32 to index
        %get3A_265 = arith.constant 48 : index
        %get3A_266 = tpu.vector_load %arg7[%get3A_264, %get3A_265] {strides = array<i32>} : memref<128x128xf32, #tpu.memory_space<vmem>>, vector<1x16xf32>,
        %get3A_267 = vector.shape_cast %get3A_266 : vector<1x16xf32> to vector<16xf32>
        %mul3A_268 = arith.constant 11.3137083 : f32
        %mul3A_269 = vector.broadcast %mul3A_268 : f32 to vector<16xf32>
        %mul3A_270 = arith.mulf %get3A_267, %mul3A_269 : vector<16xf32>
        %swap3A_271 = arith.index_cast %scan3A_228 : i32 to index
        %swap3A_272 = arith.constant 48 : index
        %swap3A_273 = tpu.vector_load %arg7[%swap3A_271, %swap3A_272] {strides = array<i32>} : memref<128x128xf32, #tpu.memory_space<vmem>>, vector<1x16xf32>,
        %swap3A_274 = vector.shape_cast %swap3A_273 : vector<1x16xf32> to vector<16xf32>
        %swap3A_275 = vector.shape_cast %mul3A_270 : vector<16xf32> to vector<1x16xf32>
        tpu.vector_store %arg7[%swap3A_271, %swap3A_272], %swap3A_275 {strides = array<i32>} : memref<128x128xf32, #tpu.memory_space<vmem>>, vector<1x16xf32>,
        %get3A_276 = arith.index_cast %scan3A_228 : i32 to index
        %get3A_277 = arith.constant 64 : index
        %get3A_278 = tpu.vector_load %arg7[%get3A_276, %get3A_277] {strides = array<i32>} : memref<128x128xf32, #tpu.memory_space<vmem>>, vector<1x16xf32>,
        %get3A_279 = vector.shape_cast %get3A_278 : vector<1x16xf32> to vector<16xf32>
        %mul3A_280 = arith.constant 11.3137083 : f32
        %mul3A_281 = vector.broadcast %mul3A_280 : f32 to vector<16xf32>
        %mul3A_282 = arith.mulf %get3A_279, %mul3A_281 : vector<16xf32>
        %swap3A_283 = arith.index_cast %scan3A_228 : i32 to index
        %swap3A_284 = arith.constant 64 : index
        %swap3A_285 = tpu.vector_load %arg7[%swap3A_283, %swap3A_284] {strides = array<i32>} : memref<128x128xf32, #tpu.memory_space<vmem>>, vector<1x16xf32>,
        %swap3A_286 = vector.shape_cast %swap3A_285 : vector<1x16xf32> to vector<16xf32>
        %swap3A_287 = vector.shape_cast %mul3A_282 : vector<16xf32> to vector<1x16xf32>
        tpu.vector_store %arg7[%swap3A_283, %swap3A_284], %swap3A_287 {strides = array<i32>} : memref<128x128xf32, #tpu.memory_space<vmem>>, vector<1x16xf32>,
        %get3A_288 = arith.index_cast %scan3A_228 : i32 to index
        %get3A_289 = arith.constant 80 : index
        %get3A_290 = tpu.vector_load %arg7[%get3A_288, %get3A_289] {strides = array<i32>} : memref<128x128xf32, #tpu.memory_space<vmem>>, vector<1x16xf32>,
        %get3A_291 = vector.shape_cast %get3A_290 : vector<1x16xf32> to vector<16xf32>
        %mul3A_292 = arith.constant 11.3137083 : f32
        %mul3A_293 = vector.broadcast %mul3A_292 : f32 to vector<16xf32>
        %mul3A_294 = arith.mulf %get3A_291, %mul3A_293 : vector<16xf32>
        %swap3A_295 = arith.index_cast %scan3A_228 : i32 to index
        %swap3A_296 = arith.constant 80 : index
        %swap3A_297 = tpu.vector_load %arg7[%swap3A_295, %swap3A_296] {strides = array<i32>} : memref<128x128xf32, #tpu.memory_space<vmem>>, vector<1x16xf32>,
        %swap3A_298 = vector.shape_cast %swap3A_297 : vector<1x16xf32> to vector<16xf32>
        %swap3A_299 = vector.shape_cast %mul3A_294 : vector<16xf32> to vector<1x16xf32>
        tpu.vector_store %arg7[%swap3A_295, %swap3A_296], %swap3A_299 {strides = array<i32>} : memref<128x128xf32, #tpu.memory_space<vmem>>, vector<1x16xf32>,
        %get3A_300 = arith.index_cast %scan3A_228 : i32 to index
        %get3A_301 = arith.constant 96 : index
        %get3A_302 = tpu.vector_load %arg7[%get3A_300, %get3A_301] {strides = array<i32>} : memref<128x128xf32, #tpu.memory_space<vmem>>, vector<1x16xf32>,
        %get3A_303 = vector.shape_cast %get3A_302 : vector<1x16xf32> to vector<16xf32>
        %mul3A_304 = arith.constant 11.3137083 : f32
        %mul3A_305 = vector.broadcast %mul3A_304 : f32 to vector<16xf32>
        %mul3A_306 = arith.mulf %get3A_303, %mul3A_305 : vector<16xf32>
        %swap3A_307 = arith.index_cast %scan3A_228 : i32 to index
        %swap3A_308 = arith.constant 96 : index
        %swap3A_309 = tpu.vector_load %arg7[%swap3A_307, %swap3A_308] {strides = array<i32>} : memref<128x128xf32, #tpu.memory_space<vmem>>, vector<1x16xf32>,
        %swap3A_310 = vector.shape_cast %swap3A_309 : vector<1x16xf32> to vector<16xf32>
        %swap3A_311 = vector.shape_cast %mul3A_306 : vector<16xf32> to vector<1x16xf32>
        tpu.vector_store %arg7[%swap3A_307, %swap3A_308], %swap3A_311 {strides = array<i32>} : memref<128x128xf32, #tpu.memory_space<vmem>>, vector<1x16xf32>,
        %get3A_312 = arith.index_cast %scan3A_228 : i32 to index
        %get3A_313 = arith.constant 112 : index
        %get3A_314 = tpu.vector_load %arg7[%get3A_312, %get3A_313] {strides = array<i32>} : memref<128x128xf32, #tpu.memory_space<vmem>>, vector<1x16xf32>,
        %get3A_315 = vector.shape_cast %get3A_314 : vector<1x16xf32> to vector<16xf32>
        %mul3A_316 = arith.constant 11.3137083 : f32
        %mul3A_317 = vector.broadcast %mul3A_316 : f32 to vector<16xf32>
        %mul3A_318 = arith.mulf %get3A_315, %mul3A_317 : vector<16xf32>
        %swap3A_319 = arith.index_cast %scan3A_228 : i32 to index
        %swap3A_320 = arith.constant 112 : index
        %swap3A_321 = tpu.vector_load %arg7[%swap3A_319, %swap3A_320] {strides = array<i32>} : memref<128x128xf32, #tpu.memory_space<vmem>>, vector<1x16xf32>,
        %swap3A_322 = vector.shape_cast %swap3A_321 : vector<1x16xf32> to vector<16xf32>
        %swap3A_323 = vector.shape_cast %mul3A_318 : vector<16xf32> to vector<1x16xf32>
        tpu.vector_store %arg7[%swap3A_319, %swap3A_320], %swap3A_323 {strides = array<i32>} : memref<128x128xf32, #tpu.memory_space<vmem>>, vector<1x16xf32>,
        %scan3A_324 = arith.constant 0 : i32
        scf.yield %scan3A_324 : i32
      }
      %scan3A_137 = arith.constant 128 : i32
      %ge3A_138 = arith.constant 1 : i32
      %ge3A_139 = arith.cmpi sge, %add3A_116, %ge3A_138 : i32
      %convert_element_type3A_140 = arith.extui %ge3A_139 : i1 to i32
      %cond3A_141 = arith.constant 0 : i32
      %cond3A_142 = arith.cmpi ne, %convert_element_type3A_140, %cond3A_141 : i32
      scf.if %cond3A_142 {
        %sub3A = arith.constant 1 : i32
        %sub3A_228 = arith.subi %add3A_116, %sub3A : i32
        %dma_start3A_229 = arith.constant 0 : i32
        %dma_start3A_230 = arith.constant 0 : i32
        %dma_start3A_231 = tpu.memref_slice %arg4[%add3A, %sub3A_228, %dma_start3A_229, %dma_start3A_230] : memref<32x50x128x128xf32, #tpu.memory_space<hbm>> -> memref<1x1x128x128xf32, #tpu.memory_space<hbm>>
        %dma_start3A_232 = tpu.memref_squeeze %dma_start3A_231 : memref<1x1x128x128xf32, #tpu.memory_space<hbm>> -> memref<128x128xf32, #tpu.memory_space<hbm>>
        %dma_start3A_233 = arith.constant 0 : i32
        %dma_start3A_234 = arith.constant 0 : i32
        %dma_start3A_235 = tpu.memref_slice %arg4[%add3A, %sub3A_228, %dma_start3A_233, %dma_start3A_234] : memref<32x50x128x128xf32, #tpu.memory_space<hbm>> -> memref<1x1x128x128xf32, #tpu.memory_space<hbm>>
        %dma_start3A_236 = tpu.memref_squeeze %dma_start3A_235 : memref<1x1x128x128xf32, #tpu.memory_space<hbm>> -> memref<128x128xf32, #tpu.memory_space<hbm>>
        tpu.enqueue_dma source(%arg6 : memref<128x128xf32, #tpu.memory_space<vmem>>) target(%dma_start3A_236 : memref<128x128xf32, #tpu.memory_space<hbm>>) target_semaphore(%arg16 : memref<!tpu.dma_semaphore, #tpu.memory_space<semaphore_mem>>)
      } else {
      }
      %add3A_143 = arith.constant 2 : i32
      %add3A_144 = arith.addi %mul3A_90, %add3A_143 : i32
      %add3A_145 = arith.constant 3 : i32
      %add3A_146 = arith.addi %add3A_144, %add3A_145 : i32
      %lt3A_147 = arith.constant 50 : i32
      %lt3A_148 = arith.cmpi slt, %add3A_146, %lt3A_147 : i32
      %convert_element_type3A_149 = arith.extui %lt3A_148 : i1 to i32
      %cond3A_150 = arith.constant 0 : i32
      %cond3A_151 = arith.cmpi ne, %convert_element_type3A_149, %cond3A_150 : i32
      scf.if %cond3A_151 {
        %add3A_228 = arith.constant 3 : i32
        %add3A_229 = arith.addi %add3A_144, %add3A_228 : i32
        %ge3A_230 = arith.constant 5 : i32
        %ge3A_231 = arith.cmpi sge, %add3A_229, %ge3A_230 : i32
        %convert_element_type3A_232 = arith.extui %ge3A_231 : i1 to i32
        %cond3A_233 = arith.constant 0 : i32
        %cond3A_234 = arith.cmpi ne, %convert_element_type3A_232, %cond3A_233 : i32
        scf.if %cond3A_234 {
          %add3A_243 = arith.constant 3 : i32
          %add3A_244 = arith.addi %add3A_144, %add3A_243 : i32
          %sub3A = arith.constant 5 : i32
          %sub3A_245 = arith.subi %add3A_244, %sub3A : i32
          %dma_wait3A_246 = arith.constant 0 : i32
          %dma_wait3A_247 = arith.constant 0 : i32
          %dma_wait3A_248 = tpu.memref_slice %arg4[%add3A, %sub3A_245, %dma_wait3A_246, %dma_wait3A_247] : memref<32x50x128x128xf32, #tpu.memory_space<hbm>> -> memref<1x1x128x128xf32, #tpu.memory_space<hbm>>
          %dma_wait3A_249 = tpu.memref_squeeze %dma_wait3A_248 : memref<1x1x128x128xf32, #tpu.memory_space<hbm>> -> memref<128x128xf32, #tpu.memory_space<hbm>>
          %dma_wait3A_250 = arith.constant 0 : i32
          %dma_wait3A_251 = arith.constant 0 : i32
          %dma_wait3A_252 = tpu.memref_slice %arg4[%add3A, %sub3A_245, %dma_wait3A_250, %dma_wait3A_251] : memref<32x50x128x128xf32, #tpu.memory_space<hbm>> -> memref<1x1x128x128xf32, #tpu.memory_space<hbm>>
          %dma_wait3A_253 = tpu.memref_squeeze %dma_wait3A_252 : memref<1x1x128x128xf32, #tpu.memory_space<hbm>> -> memref<128x128xf32, #tpu.memory_space<hbm>>
          tpu.wait_dma2 semaphore(%arg16 : memref<!tpu.dma_semaphore, #tpu.memory_space<semaphore_mem>>) src(%arg6 : memref<128x128xf32, #tpu.memory_space<vmem>>) dst(%dma_wait3A_253 : memref<128x128xf32, #tpu.memory_space<hbm>>)
        } else {
        }
        %add3A_235 = arith.constant 3 : i32
        %add3A_236 = arith.addi %add3A_144, %add3A_235 : i32
        %dma_start3A_237 = arith.constant 0 : i32
        %dma_start3A_238 = tpu.memref_slice %arg5[%add3A_236, %dma_start3A_237] : memref<50x128xi32, #tpu.memory_space<vmem>> -> memref<1x128xi32, #tpu.memory_space<vmem>>
        %dma_start3A_239 = tpu.memref_squeeze %dma_start3A_238 : memref<1x128xi32, #tpu.memory_space<vmem>> -> memref<128xi32, #tpu.memory_space<vmem>>
        %dma_start3A_240 = arith.constant 0 : i32
        %dma_start3A_241 = arith.constant 0 : i32
        %dma_start3A_242 = tpu.memref_slice %arg3[%dma_start3A_240, %dma_start3A_241] : memref<100000x128xf32, #tpu.memory_space<hbm>> -> memref<100000x128xf32, #tpu.memory_space<hbm>>
        tpu.enqueue_indirect_dma source(%dma_start3A_242 : memref<100000x128xf32, #tpu.memory_space<hbm>>) target(%arg6 : memref<128x128xf32, #tpu.memory_space<vmem>>) offsets(%dma_start3A_239 : memref<128xi32, #tpu.memory_space<vmem>>) semaphore(%arg11 : memref<!tpu.dma_semaphore, #tpu.memory_space<semaphore_mem>>)
      } else {
      }
      %add3A_152 = arith.constant 1 : i32
      %add3A_153 = arith.addi %add3A_144, %add3A_152 : i32
      %lt3A_154 = arith.constant 50 : i32
      %lt3A_155 = arith.cmpi slt, %add3A_153, %lt3A_154 : i32
      %convert_element_type3A_156 = arith.extui %lt3A_155 : i1 to i32
      %cond3A_157 = arith.constant 0 : i32
      %cond3A_158 = arith.cmpi ne, %convert_element_type3A_156, %cond3A_157 : i32
      scf.if %cond3A_158 {
        %add3A_228 = arith.constant 1 : i32
        %add3A_229 = arith.addi %add3A_144, %add3A_228 : i32
        %dma_wait3A_230 = arith.constant 0 : i32
        %dma_wait3A_231 = tpu.memref_slice %arg5[%add3A_229, %dma_wait3A_230] : memref<50x128xi32, #tpu.memory_space<vmem>> -> memref<1x128xi32, #tpu.memory_space<vmem>>
        %dma_wait3A_232 = tpu.memref_squeeze %dma_wait3A_231 : memref<1x128xi32, #tpu.memory_space<vmem>> -> memref<128xi32, #tpu.memory_space<vmem>>
        %dma_wait3A_233 = arith.constant 0 : i32
        %dma_wait3A_234 = arith.constant 0 : i32
        %dma_wait3A_235 = tpu.memref_slice %arg3[%dma_wait3A_233, %dma_wait3A_234] : memref<100000x128xf32, #tpu.memory_space<hbm>> -> memref<100000x128xf32, #tpu.memory_space<hbm>>
        tpu.wait_indirect_dma semaphore(%arg14 : memref<!tpu.dma_semaphore, #tpu.memory_space<semaphore_mem>>) src(%dma_wait3A_235 : memref<100000x128xf32, #tpu.memory_space<hbm>>) dst(%arg9 : memref<128x128xf32, #tpu.memory_space<vmem>>)
      } else {
      }
      %scan3A_159 = arith.constant 0 : i32
      %scan3A_160 = arith.constant 0 : i32
      %scan3A_161 = arith.constant 128 : i32
      %scan3A_162 = arith.addi %scan3A_160, %scan3A_161 : i32
      %scan3A_163 = arith.constant 1 : i32
      %scan3A_164 = scf.for %scan3A_228 = %scan3A_160 to %scan3A_162 step %scan3A_163 iter_args(%scan3A_229 = %scan3A_159) -> (i32)  : i32 {
        %get3A = arith.index_cast %scan3A_228 : i32 to index
        %get3A_230 = arith.constant 0 : index
        %get3A_231 = tpu.vector_load %arg8[%get3A, %get3A_230] {strides = array<i32>} : memref<128x128xf32, #tpu.memory_space<vmem>>, vector<1x16xf32>,
        %get3A_232 = vector.shape_cast %get3A_231 : vector<1x16xf32> to vector<16xf32>
        %mul3A_233 = arith.constant 11.3137083 : f32
        %mul3A_234 = vector.broadcast %mul3A_233 : f32 to vector<16xf32>
        %mul3A_235 = arith.mulf %get3A_232, %mul3A_234 : vector<16xf32>
        %swap3A = arith.index_cast %scan3A_228 : i32 to index
        %swap3A_236 = arith.constant 0 : index
        %swap3A_237 = tpu.vector_load %arg8[%swap3A, %swap3A_236] {strides = array<i32>} : memref<128x128xf32, #tpu.memory_space<vmem>>, vector<1x16xf32>,
        %swap3A_238 = vector.shape_cast %swap3A_237 : vector<1x16xf32> to vector<16xf32>
        %swap3A_239 = vector.shape_cast %mul3A_235 : vector<16xf32> to vector<1x16xf32>
        tpu.vector_store %arg8[%swap3A, %swap3A_236], %swap3A_239 {strides = array<i32>} : memref<128x128xf32, #tpu.memory_space<vmem>>, vector<1x16xf32>,
        %get3A_240 = arith.index_cast %scan3A_228 : i32 to index
        %get3A_241 = arith.constant 16 : index
        %get3A_242 = tpu.vector_load %arg8[%get3A_240, %get3A_241] {strides = array<i32>} : memref<128x128xf32, #tpu.memory_space<vmem>>, vector<1x16xf32>,
        %get3A_243 = vector.shape_cast %get3A_242 : vector<1x16xf32> to vector<16xf32>
        %mul3A_244 = arith.constant 11.3137083 : f32
        %mul3A_245 = vector.broadcast %mul3A_244 : f32 to vector<16xf32>
        %mul3A_246 = arith.mulf %get3A_243, %mul3A_245 : vector<16xf32>
        %swap3A_247 = arith.index_cast %scan3A_228 : i32 to index
        %swap3A_248 = arith.constant 16 : index
        %swap3A_249 = tpu.vector_load %arg8[%swap3A_247, %swap3A_248] {strides = array<i32>} : memref<128x128xf32, #tpu.memory_space<vmem>>, vector<1x16xf32>,
        %swap3A_250 = vector.shape_cast %swap3A_249 : vector<1x16xf32> to vector<16xf32>
        %swap3A_251 = vector.shape_cast %mul3A_246 : vector<16xf32> to vector<1x16xf32>
        tpu.vector_store %arg8[%swap3A_247, %swap3A_248], %swap3A_251 {strides = array<i32>} : memref<128x128xf32, #tpu.memory_space<vmem>>, vector<1x16xf32>,
        %get3A_252 = arith.index_cast %scan3A_228 : i32 to index
        %get3A_253 = arith.constant 32 : index
        %get3A_254 = tpu.vector_load %arg8[%get3A_252, %get3A_253] {strides = array<i32>} : memref<128x128xf32, #tpu.memory_space<vmem>>, vector<1x16xf32>,
        %get3A_255 = vector.shape_cast %get3A_254 : vector<1x16xf32> to vector<16xf32>
        %mul3A_256 = arith.constant 11.3137083 : f32
        %mul3A_257 = vector.broadcast %mul3A_256 : f32 to vector<16xf32>
        %mul3A_258 = arith.mulf %get3A_255, %mul3A_257 : vector<16xf32>
        %swap3A_259 = arith.index_cast %scan3A_228 : i32 to index
        %swap3A_260 = arith.constant 32 : index
        %swap3A_261 = tpu.vector_load %arg8[%swap3A_259, %swap3A_260] {strides = array<i32>} : memref<128x128xf32, #tpu.memory_space<vmem>>, vector<1x16xf32>,
        %swap3A_262 = vector.shape_cast %swap3A_261 : vector<1x16xf32> to vector<16xf32>
        %swap3A_263 = vector.shape_cast %mul3A_258 : vector<16xf32> to vector<1x16xf32>
        tpu.vector_store %arg8[%swap3A_259, %swap3A_260], %swap3A_263 {strides = array<i32>} : memref<128x128xf32, #tpu.memory_space<vmem>>, vector<1x16xf32>,
        %get3A_264 = arith.index_cast %scan3A_228 : i32 to index
        %get3A_265 = arith.constant 48 : index
        %get3A_266 = tpu.vector_load %arg8[%get3A_264, %get3A_265] {strides = array<i32>} : memref<128x128xf32, #tpu.memory_space<vmem>>, vector<1x16xf32>,
        %get3A_267 = vector.shape_cast %get3A_266 : vector<1x16xf32> to vector<16xf32>
        %mul3A_268 = arith.constant 11.3137083 : f32
        %mul3A_269 = vector.broadcast %mul3A_268 : f32 to vector<16xf32>
        %mul3A_270 = arith.mulf %get3A_267, %mul3A_269 : vector<16xf32>
        %swap3A_271 = arith.index_cast %scan3A_228 : i32 to index
        %swap3A_272 = arith.constant 48 : index
        %swap3A_273 = tpu.vector_load %arg8[%swap3A_271, %swap3A_272] {strides = array<i32>} : memref<128x128xf32, #tpu.memory_space<vmem>>, vector<1x16xf32>,
        %swap3A_274 = vector.shape_cast %swap3A_273 : vector<1x16xf32> to vector<16xf32>
        %swap3A_275 = vector.shape_cast %mul3A_270 : vector<16xf32> to vector<1x16xf32>
        tpu.vector_store %arg8[%swap3A_271, %swap3A_272], %swap3A_275 {strides = array<i32>} : memref<128x128xf32, #tpu.memory_space<vmem>>, vector<1x16xf32>,
        %get3A_276 = arith.index_cast %scan3A_228 : i32 to index
        %get3A_277 = arith.constant 64 : index
        %get3A_278 = tpu.vector_load %arg8[%get3A_276, %get3A_277] {strides = array<i32>} : memref<128x128xf32, #tpu.memory_space<vmem>>, vector<1x16xf32>,
        %get3A_279 = vector.shape_cast %get3A_278 : vector<1x16xf32> to vector<16xf32>
        %mul3A_280 = arith.constant 11.3137083 : f32
        %mul3A_281 = vector.broadcast %mul3A_280 : f32 to vector<16xf32>
        %mul3A_282 = arith.mulf %get3A_279, %mul3A_281 : vector<16xf32>
        %swap3A_283 = arith.index_cast %scan3A_228 : i32 to index
        %swap3A_284 = arith.constant 64 : index
        %swap3A_285 = tpu.vector_load %arg8[%swap3A_283, %swap3A_284] {strides = array<i32>} : memref<128x128xf32, #tpu.memory_space<vmem>>, vector<1x16xf32>,
        %swap3A_286 = vector.shape_cast %swap3A_285 : vector<1x16xf32> to vector<16xf32>
        %swap3A_287 = vector.shape_cast %mul3A_282 : vector<16xf32> to vector<1x16xf32>
        tpu.vector_store %arg8[%swap3A_283, %swap3A_284], %swap3A_287 {strides = array<i32>} : memref<128x128xf32, #tpu.memory_space<vmem>>, vector<1x16xf32>,
        %get3A_288 = arith.index_cast %scan3A_228 : i32 to index
        %get3A_289 = arith.constant 80 : index
        %get3A_290 = tpu.vector_load %arg8[%get3A_288, %get3A_289] {strides = array<i32>} : memref<128x128xf32, #tpu.memory_space<vmem>>, vector<1x16xf32>,
        %get3A_291 = vector.shape_cast %get3A_290 : vector<1x16xf32> to vector<16xf32>
        %mul3A_292 = arith.constant 11.3137083 : f32
        %mul3A_293 = vector.broadcast %mul3A_292 : f32 to vector<16xf32>
        %mul3A_294 = arith.mulf %get3A_291, %mul3A_293 : vector<16xf32>
        %swap3A_295 = arith.index_cast %scan3A_228 : i32 to index
        %swap3A_296 = arith.constant 80 : index
        %swap3A_297 = tpu.vector_load %arg8[%swap3A_295, %swap3A_296] {strides = array<i32>} : memref<128x128xf32, #tpu.memory_space<vmem>>, vector<1x16xf32>,
        %swap3A_298 = vector.shape_cast %swap3A_297 : vector<1x16xf32> to vector<16xf32>
        %swap3A_299 = vector.shape_cast %mul3A_294 : vector<16xf32> to vector<1x16xf32>
        tpu.vector_store %arg8[%swap3A_295, %swap3A_296], %swap3A_299 {strides = array<i32>} : memref<128x128xf32, #tpu.memory_space<vmem>>, vector<1x16xf32>,
        %get3A_300 = arith.index_cast %scan3A_228 : i32 to index
        %get3A_301 = arith.constant 96 : index
        %get3A_302 = tpu.vector_load %arg8[%get3A_300, %get3A_301] {strides = array<i32>} : memref<128x128xf32, #tpu.memory_space<vmem>>, vector<1x16xf32>,
        %get3A_303 = vector.shape_cast %get3A_302 : vector<1x16xf32> to vector<16xf32>
        %mul3A_304 = arith.constant 11.3137083 : f32
        %mul3A_305 = vector.broadcast %mul3A_304 : f32 to vector<16xf32>
        %mul3A_306 = arith.mulf %get3A_303, %mul3A_305 : vector<16xf32>
        %swap3A_307 = arith.index_cast %scan3A_228 : i32 to index
        %swap3A_308 = arith.constant 96 : index
        %swap3A_309 = tpu.vector_load %arg8[%swap3A_307, %swap3A_308] {strides = array<i32>} : memref<128x128xf32, #tpu.memory_space<vmem>>, vector<1x16xf32>,
        %swap3A_310 = vector.shape_cast %swap3A_309 : vector<1x16xf32> to vector<16xf32>
        %swap3A_311 = vector.shape_cast %mul3A_306 : vector<16xf32> to vector<1x16xf32>
        tpu.vector_store %arg8[%swap3A_307, %swap3A_308], %swap3A_311 {strides = array<i32>} : memref<128x128xf32, #tpu.memory_space<vmem>>, vector<1x16xf32>,
        %get3A_312 = arith.index_cast %scan3A_228 : i32 to index
        %get3A_313 = arith.constant 112 : index
        %get3A_314 = tpu.vector_load %arg8[%get3A_312, %get3A_313] {strides = array<i32>} : memref<128x128xf32, #tpu.memory_space<vmem>>, vector<1x16xf32>,
        %get3A_315 = vector.shape_cast %get3A_314 : vector<1x16xf32> to vector<16xf32>
        %mul3A_316 = arith.constant 11.3137083 : f32
        %mul3A_317 = vector.broadcast %mul3A_316 : f32 to vector<16xf32>
        %mul3A_318 = arith.mulf %get3A_315, %mul3A_317 : vector<16xf32>
        %swap3A_319 = arith.index_cast %scan3A_228 : i32 to index
        %swap3A_320 = arith.constant 112 : index
        %swap3A_321 = tpu.vector_load %arg8[%swap3A_319, %swap3A_320] {strides = array<i32>} : memref<128x128xf32, #tpu.memory_space<vmem>>, vector<1x16xf32>,
        %swap3A_322 = vector.shape_cast %swap3A_321 : vector<1x16xf32> to vector<16xf32>
        %swap3A_323 = vector.shape_cast %mul3A_318 : vector<16xf32> to vector<1x16xf32>
        tpu.vector_store %arg8[%swap3A_319, %swap3A_320], %swap3A_323 {strides = array<i32>} : memref<128x128xf32, #tpu.memory_space<vmem>>, vector<1x16xf32>,
        %scan3A_324 = arith.constant 0 : i32
        scf.yield %scan3A_324 : i32
      }
      %scan3A_165 = arith.constant 128 : i32
      %ge3A_166 = arith.constant 1 : i32
      %ge3A_167 = arith.cmpi sge, %add3A_144, %ge3A_166 : i32
      %convert_element_type3A_168 = arith.extui %ge3A_167 : i1 to i32
      %cond3A_169 = arith.constant 0 : i32
      %cond3A_170 = arith.cmpi ne, %convert_element_type3A_168, %cond3A_169 : i32
      scf.if %cond3A_170 {
        %sub3A = arith.constant 1 : i32
        %sub3A_228 = arith.subi %add3A_144, %sub3A : i32
        %dma_start3A_229 = arith.constant 0 : i32
        %dma_start3A_230 = arith.constant 0 : i32
        %dma_start3A_231 = tpu.memref_slice %arg4[%add3A, %sub3A_228, %dma_start3A_229, %dma_start3A_230] : memref<32x50x128x128xf32, #tpu.memory_space<hbm>> -> memref<1x1x128x128xf32, #tpu.memory_space<hbm>>
        %dma_start3A_232 = tpu.memref_squeeze %dma_start3A_231 : memref<1x1x128x128xf32, #tpu.memory_space<hbm>> -> memref<128x128xf32, #tpu.memory_space<hbm>>
        %dma_start3A_233 = arith.constant 0 : i32
        %dma_start3A_234 = arith.constant 0 : i32
        %dma_start3A_235 = tpu.memref_slice %arg4[%add3A, %sub3A_228, %dma_start3A_233, %dma_start3A_234] : memref<32x50x128x128xf32, #tpu.memory_space<hbm>> -> memref<1x1x128x128xf32, #tpu.memory_space<hbm>>
        %dma_start3A_236 = tpu.memref_squeeze %dma_start3A_235 : memref<1x1x128x128xf32, #tpu.memory_space<hbm>> -> memref<128x128xf32, #tpu.memory_space<hbm>>
        tpu.enqueue_dma source(%arg7 : memref<128x128xf32, #tpu.memory_space<vmem>>) target(%dma_start3A_236 : memref<128x128xf32, #tpu.memory_space<hbm>>) target_semaphore(%arg17 : memref<!tpu.dma_semaphore, #tpu.memory_space<semaphore_mem>>)
      } else {
      }
      %add3A_171 = arith.constant 3 : i32
      %add3A_172 = arith.addi %mul3A_90, %add3A_171 : i32
      %add3A_173 = arith.constant 3 : i32
      %add3A_174 = arith.addi %add3A_172, %add3A_173 : i32
      %lt3A_175 = arith.constant 50 : i32
      %lt3A_176 = arith.cmpi slt, %add3A_174, %lt3A_175 : i32
      %convert_element_type3A_177 = arith.extui %lt3A_176 : i1 to i32
      %cond3A_178 = arith.constant 0 : i32
      %cond3A_179 = arith.cmpi ne, %convert_element_type3A_177, %cond3A_178 : i32
      scf.if %cond3A_179 {
        %add3A_228 = arith.constant 3 : i32
        %add3A_229 = arith.addi %add3A_172, %add3A_228 : i32
        %ge3A_230 = arith.constant 5 : i32
        %ge3A_231 = arith.cmpi sge, %add3A_229, %ge3A_230 : i32
        %convert_element_type3A_232 = arith.extui %ge3A_231 : i1 to i32
        %cond3A_233 = arith.constant 0 : i32
        %cond3A_234 = arith.cmpi ne, %convert_element_type3A_232, %cond3A_233 : i32
        scf.if %cond3A_234 {
          %add3A_243 = arith.constant 3 : i32
          %add3A_244 = arith.addi %add3A_172, %add3A_243 : i32
          %sub3A = arith.constant 5 : i32
          %sub3A_245 = arith.subi %add3A_244, %sub3A : i32
          %dma_wait3A_246 = arith.constant 0 : i32
          %dma_wait3A_247 = arith.constant 0 : i32
          %dma_wait3A_248 = tpu.memref_slice %arg4[%add3A, %sub3A_245, %dma_wait3A_246, %dma_wait3A_247] : memref<32x50x128x128xf32, #tpu.memory_space<hbm>> -> memref<1x1x128x128xf32, #tpu.memory_space<hbm>>
          %dma_wait3A_249 = tpu.memref_squeeze %dma_wait3A_248 : memref<1x1x128x128xf32, #tpu.memory_space<hbm>> -> memref<128x128xf32, #tpu.memory_space<hbm>>
          %dma_wait3A_250 = arith.constant 0 : i32
          %dma_wait3A_251 = arith.constant 0 : i32
          %dma_wait3A_252 = tpu.memref_slice %arg4[%add3A, %sub3A_245, %dma_wait3A_250, %dma_wait3A_251] : memref<32x50x128x128xf32, #tpu.memory_space<hbm>> -> memref<1x1x128x128xf32, #tpu.memory_space<hbm>>
          %dma_wait3A_253 = tpu.memref_squeeze %dma_wait3A_252 : memref<1x1x128x128xf32, #tpu.memory_space<hbm>> -> memref<128x128xf32, #tpu.memory_space<hbm>>
          tpu.wait_dma2 semaphore(%arg17 : memref<!tpu.dma_semaphore, #tpu.memory_space<semaphore_mem>>) src(%arg7 : memref<128x128xf32, #tpu.memory_space<vmem>>) dst(%dma_wait3A_253 : memref<128x128xf32, #tpu.memory_space<hbm>>)
        } else {
        }
        %add3A_235 = arith.constant 3 : i32
        %add3A_236 = arith.addi %add3A_172, %add3A_235 : i32
        %dma_start3A_237 = arith.constant 0 : i32
        %dma_start3A_238 = tpu.memref_slice %arg5[%add3A_236, %dma_start3A_237] : memref<50x128xi32, #tpu.memory_space<vmem>> -> memref<1x128xi32, #tpu.memory_space<vmem>>
        %dma_start3A_239 = tpu.memref_squeeze %dma_start3A_238 : memref<1x128xi32, #tpu.memory_space<vmem>> -> memref<128xi32, #tpu.memory_space<vmem>>
        %dma_start3A_240 = arith.constant 0 : i32
        %dma_start3A_241 = arith.constant 0 : i32
        %dma_start3A_242 = tpu.memref_slice %arg3[%dma_start3A_240, %dma_start3A_241] : memref<100000x128xf32, #tpu.memory_space<hbm>> -> memref<100000x128xf32, #tpu.memory_space<hbm>>
        tpu.enqueue_indirect_dma source(%dma_start3A_242 : memref<100000x128xf32, #tpu.memory_space<hbm>>) target(%arg7 : memref<128x128xf32, #tpu.memory_space<vmem>>) offsets(%dma_start3A_239 : memref<128xi32, #tpu.memory_space<vmem>>) semaphore(%arg12 : memref<!tpu.dma_semaphore, #tpu.memory_space<semaphore_mem>>)
      } else {
      }
      %add3A_180 = arith.constant 1 : i32
      %add3A_181 = arith.addi %add3A_172, %add3A_180 : i32
      %lt3A_182 = arith.constant 50 : i32
      %lt3A_183 = arith.cmpi slt, %add3A_181, %lt3A_182 : i32
      %convert_element_type3A_184 = arith.extui %lt3A_183 : i1 to i32
      %cond3A_185 = arith.constant 0 : i32
      %cond3A_186 = arith.cmpi ne, %convert_element_type3A_184, %cond3A_185 : i32
      scf.if %cond3A_186 {
        %add3A_228 = arith.constant 1 : i32
        %add3A_229 = arith.addi %add3A_172, %add3A_228 : i32
        %dma_wait3A_230 = arith.constant 0 : i32
        %dma_wait3A_231 = tpu.memref_slice %arg5[%add3A_229, %dma_wait3A_230] : memref<50x128xi32, #tpu.memory_space<vmem>> -> memref<1x128xi32, #tpu.memory_space<vmem>>
        %dma_wait3A_232 = tpu.memref_squeeze %dma_wait3A_231 : memref<1x128xi32, #tpu.memory_space<vmem>> -> memref<128xi32, #tpu.memory_space<vmem>>
        %dma_wait3A_233 = arith.constant 0 : i32
        %dma_wait3A_234 = arith.constant 0 : i32
        %dma_wait3A_235 = tpu.memref_slice %arg3[%dma_wait3A_233, %dma_wait3A_234] : memref<100000x128xf32, #tpu.memory_space<hbm>> -> memref<100000x128xf32, #tpu.memory_space<hbm>>
        tpu.wait_indirect_dma semaphore(%arg15 : memref<!tpu.dma_semaphore, #tpu.memory_space<semaphore_mem>>) src(%dma_wait3A_235 : memref<100000x128xf32, #tpu.memory_space<hbm>>) dst(%arg10 : memref<128x128xf32, #tpu.memory_space<vmem>>)
      } else {
      }
      %scan3A_187 = arith.constant 0 : i32
      %scan3A_188 = arith.constant 0 : i32
      %scan3A_189 = arith.constant 128 : i32
      %scan3A_190 = arith.addi %scan3A_188, %scan3A_189 : i32
      %scan3A_191 = arith.constant 1 : i32
      %scan3A_192 = scf.for %scan3A_228 = %scan3A_188 to %scan3A_190 step %scan3A_191 iter_args(%scan3A_229 = %scan3A_187) -> (i32)  : i32 {
        %get3A = arith.index_cast %scan3A_228 : i32 to index
        %get3A_230 = arith.constant 0 : index
        %get3A_231 = tpu.vector_load %arg9[%get3A, %get3A_230] {strides = array<i32>} : memref<128x128xf32, #tpu.memory_space<vmem>>, vector<1x16xf32>,
        %get3A_232 = vector.shape_cast %get3A_231 : vector<1x16xf32> to vector<16xf32>
        %mul3A_233 = arith.constant 11.3137083 : f32
        %mul3A_234 = vector.broadcast %mul3A_233 : f32 to vector<16xf32>
        %mul3A_235 = arith.mulf %get3A_232, %mul3A_234 : vector<16xf32>
        %swap3A = arith.index_cast %scan3A_228 : i32 to index
        %swap3A_236 = arith.constant 0 : index
        %swap3A_237 = tpu.vector_load %arg9[%swap3A, %swap3A_236] {strides = array<i32>} : memref<128x128xf32, #tpu.memory_space<vmem>>, vector<1x16xf32>,
        %swap3A_238 = vector.shape_cast %swap3A_237 : vector<1x16xf32> to vector<16xf32>
        %swap3A_239 = vector.shape_cast %mul3A_235 : vector<16xf32> to vector<1x16xf32>
        tpu.vector_store %arg9[%swap3A, %swap3A_236], %swap3A_239 {strides = array<i32>} : memref<128x128xf32, #tpu.memory_space<vmem>>, vector<1x16xf32>,
        %get3A_240 = arith.index_cast %scan3A_228 : i32 to index
        %get3A_241 = arith.constant 16 : index
        %get3A_242 = tpu.vector_load %arg9[%get3A_240, %get3A_241] {strides = array<i32>} : memref<128x128xf32, #tpu.memory_space<vmem>>, vector<1x16xf32>,
        %get3A_243 = vector.shape_cast %get3A_242 : vector<1x16xf32> to vector<16xf32>
        %mul3A_244 = arith.constant 11.3137083 : f32
        %mul3A_245 = vector.broadcast %mul3A_244 : f32 to vector<16xf32>
        %mul3A_246 = arith.mulf %get3A_243, %mul3A_245 : vector<16xf32>
        %swap3A_247 = arith.index_cast %scan3A_228 : i32 to index
        %swap3A_248 = arith.constant 16 : index
        %swap3A_249 = tpu.vector_load %arg9[%swap3A_247, %swap3A_248] {strides = array<i32>} : memref<128x128xf32, #tpu.memory_space<vmem>>, vector<1x16xf32>,
        %swap3A_250 = vector.shape_cast %swap3A_249 : vector<1x16xf32> to vector<16xf32>
        %swap3A_251 = vector.shape_cast %mul3A_246 : vector<16xf32> to vector<1x16xf32>
        tpu.vector_store %arg9[%swap3A_247, %swap3A_248], %swap3A_251 {strides = array<i32>} : memref<128x128xf32, #tpu.memory_space<vmem>>, vector<1x16xf32>,
        %get3A_252 = arith.index_cast %scan3A_228 : i32 to index
        %get3A_253 = arith.constant 32 : index
        %get3A_254 = tpu.vector_load %arg9[%get3A_252, %get3A_253] {strides = array<i32>} : memref<128x128xf32, #tpu.memory_space<vmem>>, vector<1x16xf32>,
        %get3A_255 = vector.shape_cast %get3A_254 : vector<1x16xf32> to vector<16xf32>
        %mul3A_256 = arith.constant 11.3137083 : f32
        %mul3A_257 = vector.broadcast %mul3A_256 : f32 to vector<16xf32>
        %mul3A_258 = arith.mulf %get3A_255, %mul3A_257 : vector<16xf32>
        %swap3A_259 = arith.index_cast %scan3A_228 : i32 to index
        %swap3A_260 = arith.constant 32 : index
        %swap3A_261 = tpu.vector_load %arg9[%swap3A_259, %swap3A_260] {strides = array<i32>} : memref<128x128xf32, #tpu.memory_space<vmem>>, vector<1x16xf32>,
        %swap3A_262 = vector.shape_cast %swap3A_261 : vector<1x16xf32> to vector<16xf32>
        %swap3A_263 = vector.shape_cast %mul3A_258 : vector<16xf32> to vector<1x16xf32>
        tpu.vector_store %arg9[%swap3A_259, %swap3A_260], %swap3A_263 {strides = array<i32>} : memref<128x128xf32, #tpu.memory_space<vmem>>, vector<1x16xf32>,
        %get3A_264 = arith.index_cast %scan3A_228 : i32 to index
        %get3A_265 = arith.constant 48 : index
        %get3A_266 = tpu.vector_load %arg9[%get3A_264, %get3A_265] {strides = array<i32>} : memref<128x128xf32, #tpu.memory_space<vmem>>, vector<1x16xf32>,
        %get3A_267 = vector.shape_cast %get3A_266 : vector<1x16xf32> to vector<16xf32>
        %mul3A_268 = arith.constant 11.3137083 : f32
        %mul3A_269 = vector.broadcast %mul3A_268 : f32 to vector<16xf32>
        %mul3A_270 = arith.mulf %get3A_267, %mul3A_269 : vector<16xf32>
        %swap3A_271 = arith.index_cast %scan3A_228 : i32 to index
        %swap3A_272 = arith.constant 48 : index
        %swap3A_273 = tpu.vector_load %arg9[%swap3A_271, %swap3A_272] {strides = array<i32>} : memref<128x128xf32, #tpu.memory_space<vmem>>, vector<1x16xf32>,
        %swap3A_274 = vector.shape_cast %swap3A_273 : vector<1x16xf32> to vector<16xf32>
        %swap3A_275 = vector.shape_cast %mul3A_270 : vector<16xf32> to vector<1x16xf32>
        tpu.vector_store %arg9[%swap3A_271, %swap3A_272], %swap3A_275 {strides = array<i32>} : memref<128x128xf32, #tpu.memory_space<vmem>>, vector<1x16xf32>,
        %get3A_276 = arith.index_cast %scan3A_228 : i32 to index
        %get3A_277 = arith.constant 64 : index
        %get3A_278 = tpu.vector_load %arg9[%get3A_276, %get3A_277] {strides = array<i32>} : memref<128x128xf32, #tpu.memory_space<vmem>>, vector<1x16xf32>,
        %get3A_279 = vector.shape_cast %get3A_278 : vector<1x16xf32> to vector<16xf32>
        %mul3A_280 = arith.constant 11.3137083 : f32
        %mul3A_281 = vector.broadcast %mul3A_280 : f32 to vector<16xf32>
        %mul3A_282 = arith.mulf %get3A_279, %mul3A_281 : vector<16xf32>
        %swap3A_283 = arith.index_cast %scan3A_228 : i32 to index
        %swap3A_284 = arith.constant 64 : index
        %swap3A_285 = tpu.vector_load %arg9[%swap3A_283, %swap3A_284] {strides = array<i32>} : memref<128x128xf32, #tpu.memory_space<vmem>>, vector<1x16xf32>,
        %swap3A_286 = vector.shape_cast %swap3A_285 : vector<1x16xf32> to vector<16xf32>
        %swap3A_287 = vector.shape_cast %mul3A_282 : vector<16xf32> to vector<1x16xf32>
        tpu.vector_store %arg9[%swap3A_283, %swap3A_284], %swap3A_287 {strides = array<i32>} : memref<128x128xf32, #tpu.memory_space<vmem>>, vector<1x16xf32>,
        %get3A_288 = arith.index_cast %scan3A_228 : i32 to index
        %get3A_289 = arith.constant 80 : index
        %get3A_290 = tpu.vector_load %arg9[%get3A_288, %get3A_289] {strides = array<i32>} : memref<128x128xf32, #tpu.memory_space<vmem>>, vector<1x16xf32>,
        %get3A_291 = vector.shape_cast %get3A_290 : vector<1x16xf32> to vector<16xf32>
        %mul3A_292 = arith.constant 11.3137083 : f32
        %mul3A_293 = vector.broadcast %mul3A_292 : f32 to vector<16xf32>
        %mul3A_294 = arith.mulf %get3A_291, %mul3A_293 : vector<16xf32>
        %swap3A_295 = arith.index_cast %scan3A_228 : i32 to index
        %swap3A_296 = arith.constant 80 : index
        %swap3A_297 = tpu.vector_load %arg9[%swap3A_295, %swap3A_296] {strides = array<i32>} : memref<128x128xf32, #tpu.memory_space<vmem>>, vector<1x16xf32>,
        %swap3A_298 = vector.shape_cast %swap3A_297 : vector<1x16xf32> to vector<16xf32>
        %swap3A_299 = vector.shape_cast %mul3A_294 : vector<16xf32> to vector<1x16xf32>
        tpu.vector_store %arg9[%swap3A_295, %swap3A_296], %swap3A_299 {strides = array<i32>} : memref<128x128xf32, #tpu.memory_space<vmem>>, vector<1x16xf32>,
        %get3A_300 = arith.index_cast %scan3A_228 : i32 to index
        %get3A_301 = arith.constant 96 : index
        %get3A_302 = tpu.vector_load %arg9[%get3A_300, %get3A_301] {strides = array<i32>} : memref<128x128xf32, #tpu.memory_space<vmem>>, vector<1x16xf32>,
        %get3A_303 = vector.shape_cast %get3A_302 : vector<1x16xf32> to vector<16xf32>
        %mul3A_304 = arith.constant 11.3137083 : f32
        %mul3A_305 = vector.broadcast %mul3A_304 : f32 to vector<16xf32>
        %mul3A_306 = arith.mulf %get3A_303, %mul3A_305 : vector<16xf32>
        %swap3A_307 = arith.index_cast %scan3A_228 : i32 to index
        %swap3A_308 = arith.constant 96 : index
        %swap3A_309 = tpu.vector_load %arg9[%swap3A_307, %swap3A_308] {strides = array<i32>} : memref<128x128xf32, #tpu.memory_space<vmem>>, vector<1x16xf32>,
        %swap3A_310 = vector.shape_cast %swap3A_309 : vector<1x16xf32> to vector<16xf32>
        %swap3A_311 = vector.shape_cast %mul3A_306 : vector<16xf32> to vector<1x16xf32>
        tpu.vector_store %arg9[%swap3A_307, %swap3A_308], %swap3A_311 {strides = array<i32>} : memref<128x128xf32, #tpu.memory_space<vmem>>, vector<1x16xf32>,
        %get3A_312 = arith.index_cast %scan3A_228 : i32 to index
        %get3A_313 = arith.constant 112 : index
        %get3A_314 = tpu.vector_load %arg9[%get3A_312, %get3A_313] {strides = array<i32>} : memref<128x128xf32, #tpu.memory_space<vmem>>, vector<1x16xf32>,
        %get3A_315 = vector.shape_cast %get3A_314 : vector<1x16xf32> to vector<16xf32>
        %mul3A_316 = arith.constant 11.3137083 : f32
        %mul3A_317 = vector.broadcast %mul3A_316 : f32 to vector<16xf32>
        %mul3A_318 = arith.mulf %get3A_315, %mul3A_317 : vector<16xf32>
        %swap3A_319 = arith.index_cast %scan3A_228 : i32 to index
        %swap3A_320 = arith.constant 112 : index
        %swap3A_321 = tpu.vector_load %arg9[%swap3A_319, %swap3A_320] {strides = array<i32>} : memref<128x128xf32, #tpu.memory_space<vmem>>, vector<1x16xf32>,
        %swap3A_322 = vector.shape_cast %swap3A_321 : vector<1x16xf32> to vector<16xf32>
        %swap3A_323 = vector.shape_cast %mul3A_318 : vector<16xf32> to vector<1x16xf32>
        tpu.vector_store %arg9[%swap3A_319, %swap3A_320], %swap3A_323 {strides = array<i32>} : memref<128x128xf32, #tpu.memory_space<vmem>>, vector<1x16xf32>,
        %scan3A_324 = arith.constant 0 : i32
        scf.yield %scan3A_324 : i32
      }
      %scan3A_193 = arith.constant 128 : i32
      %ge3A_194 = arith.constant 1 : i32
      %ge3A_195 = arith.cmpi sge, %add3A_172, %ge3A_194 : i32
      %convert_element_type3A_196 = arith.extui %ge3A_195 : i1 to i32
      %cond3A_197 = arith.constant 0 : i32
      %cond3A_198 = arith.cmpi ne, %convert_element_type3A_196, %cond3A_197 : i32
      scf.if %cond3A_198 {
        %sub3A = arith.constant 1 : i32
        %sub3A_228 = arith.subi %add3A_172, %sub3A : i32
        %dma_start3A_229 = arith.constant 0 : i32
        %dma_start3A_230 = arith.constant 0 : i32
        %dma_start3A_231 = tpu.memref_slice %arg4[%add3A, %sub3A_228, %dma_start3A_229, %dma_start3A_230] : memref<32x50x128x128xf32, #tpu.memory_space<hbm>> -> memref<1x1x128x128xf32, #tpu.memory_space<hbm>>
        %dma_start3A_232 = tpu.memref_squeeze %dma_start3A_231 : memref<1x1x128x128xf32, #tpu.memory_space<hbm>> -> memref<128x128xf32, #tpu.memory_space<hbm>>
        %dma_start3A_233 = arith.constant 0 : i32
        %dma_start3A_234 = arith.constant 0 : i32
        %dma_start3A_235 = tpu.memref_slice %arg4[%add3A, %sub3A_228, %dma_start3A_233, %dma_start3A_234] : memref<32x50x128x128xf32, #tpu.memory_space<hbm>> -> memref<1x1x128x128xf32, #tpu.memory_space<hbm>>
        %dma_start3A_236 = tpu.memref_squeeze %dma_start3A_235 : memref<1x1x128x128xf32, #tpu.memory_space<hbm>> -> memref<128x128xf32, #tpu.memory_space<hbm>>
        tpu.enqueue_dma source(%arg8 : memref<128x128xf32, #tpu.memory_space<vmem>>) target(%dma_start3A_236 : memref<128x128xf32, #tpu.memory_space<hbm>>) target_semaphore(%arg18 : memref<!tpu.dma_semaphore, #tpu.memory_space<semaphore_mem>>)
      } else {
      }
      %add3A_199 = arith.constant 4 : i32
      %add3A_200 = arith.addi %mul3A_90, %add3A_199 : i32
      %add3A_201 = arith.constant 3 : i32
      %add3A_202 = arith.addi %add3A_200, %add3A_201 : i32
      %lt3A_203 = arith.constant 50 : i32
      %lt3A_204 = arith.cmpi slt, %add3A_202, %lt3A_203 : i32
      %convert_element_type3A_205 = arith.extui %lt3A_204 : i1 to i32
      %cond3A_206 = arith.constant 0 : i32
      %cond3A_207 = arith.cmpi ne, %convert_element_type3A_205, %cond3A_206 : i32
      scf.if %cond3A_207 {
        %add3A_228 = arith.constant 3 : i32
        %add3A_229 = arith.addi %add3A_200, %add3A_228 : i32
        %ge3A_230 = arith.constant 5 : i32
        %ge3A_231 = arith.cmpi sge, %add3A_229, %ge3A_230 : i32
        %convert_element_type3A_232 = arith.extui %ge3A_231 : i1 to i32
        %cond3A_233 = arith.constant 0 : i32
        %cond3A_234 = arith.cmpi ne, %convert_element_type3A_232, %cond3A_233 : i32
        scf.if %cond3A_234 {
          %add3A_243 = arith.constant 3 : i32
          %add3A_244 = arith.addi %add3A_200, %add3A_243 : i32
          %sub3A = arith.constant 5 : i32
          %sub3A_245 = arith.subi %add3A_244, %sub3A : i32
          %dma_wait3A_246 = arith.constant 0 : i32
          %dma_wait3A_247 = arith.constant 0 : i32
          %dma_wait3A_248 = tpu.memref_slice %arg4[%add3A, %sub3A_245, %dma_wait3A_246, %dma_wait3A_247] : memref<32x50x128x128xf32, #tpu.memory_space<hbm>> -> memref<1x1x128x128xf32, #tpu.memory_space<hbm>>
          %dma_wait3A_249 = tpu.memref_squeeze %dma_wait3A_248 : memref<1x1x128x128xf32, #tpu.memory_space<hbm>> -> memref<128x128xf32, #tpu.memory_space<hbm>>
          %dma_wait3A_250 = arith.constant 0 : i32
          %dma_wait3A_251 = arith.constant 0 : i32
          %dma_wait3A_252 = tpu.memref_slice %arg4[%add3A, %sub3A_245, %dma_wait3A_250, %dma_wait3A_251] : memref<32x50x128x128xf32, #tpu.memory_space<hbm>> -> memref<1x1x128x128xf32, #tpu.memory_space<hbm>>
          %dma_wait3A_253 = tpu.memref_squeeze %dma_wait3A_252 : memref<1x1x128x128xf32, #tpu.memory_space<hbm>> -> memref<128x128xf32, #tpu.memory_space<hbm>>
          tpu.wait_dma2 semaphore(%arg18 : memref<!tpu.dma_semaphore, #tpu.memory_space<semaphore_mem>>) src(%arg8 : memref<128x128xf32, #tpu.memory_space<vmem>>) dst(%dma_wait3A_253 : memref<128x128xf32, #tpu.memory_space<hbm>>)
        } else {
        }
        %add3A_235 = arith.constant 3 : i32
        %add3A_236 = arith.addi %add3A_200, %add3A_235 : i32
        %dma_start3A_237 = arith.constant 0 : i32
        %dma_start3A_238 = tpu.memref_slice %arg5[%add3A_236, %dma_start3A_237] : memref<50x128xi32, #tpu.memory_space<vmem>> -> memref<1x128xi32, #tpu.memory_space<vmem>>
        %dma_start3A_239 = tpu.memref_squeeze %dma_start3A_238 : memref<1x128xi32, #tpu.memory_space<vmem>> -> memref<128xi32, #tpu.memory_space<vmem>>
        %dma_start3A_240 = arith.constant 0 : i32
        %dma_start3A_241 = arith.constant 0 : i32
        %dma_start3A_242 = tpu.memref_slice %arg3[%dma_start3A_240, %dma_start3A_241] : memref<100000x128xf32, #tpu.memory_space<hbm>> -> memref<100000x128xf32, #tpu.memory_space<hbm>>
        tpu.enqueue_indirect_dma source(%dma_start3A_242 : memref<100000x128xf32, #tpu.memory_space<hbm>>) target(%arg8 : memref<128x128xf32, #tpu.memory_space<vmem>>) offsets(%dma_start3A_239 : memref<128xi32, #tpu.memory_space<vmem>>) semaphore(%arg13 : memref<!tpu.dma_semaphore, #tpu.memory_space<semaphore_mem>>)
      } else {
      }
      %add3A_208 = arith.constant 1 : i32
      %add3A_209 = arith.addi %add3A_200, %add3A_208 : i32
      %lt3A_210 = arith.constant 50 : i32
      %lt3A_211 = arith.cmpi slt, %add3A_209, %lt3A_210 : i32
      %convert_element_type3A_212 = arith.extui %lt3A_211 : i1 to i32
      %cond3A_213 = arith.constant 0 : i32
      %cond3A_214 = arith.cmpi ne, %convert_element_type3A_212, %cond3A_213 : i32
      scf.if %cond3A_214 {
        %add3A_228 = arith.constant 1 : i32
        %add3A_229 = arith.addi %add3A_200, %add3A_228 : i32
        %dma_wait3A_230 = arith.constant 0 : i32
        %dma_wait3A_231 = tpu.memref_slice %arg5[%add3A_229, %dma_wait3A_230] : memref<50x128xi32, #tpu.memory_space<vmem>> -> memref<1x128xi32, #tpu.memory_space<vmem>>
        %dma_wait3A_232 = tpu.memref_squeeze %dma_wait3A_231 : memref<1x128xi32, #tpu.memory_space<vmem>> -> memref<128xi32, #tpu.memory_space<vmem>>
        %dma_wait3A_233 = arith.constant 0 : i32
        %dma_wait3A_234 = arith.constant 0 : i32
        %dma_wait3A_235 = tpu.memref_slice %arg3[%dma_wait3A_233, %dma_wait3A_234] : memref<100000x128xf32, #tpu.memory_space<hbm>> -> memref<100000x128xf32, #tpu.memory_space<hbm>>
        tpu.wait_indirect_dma semaphore(%arg11 : memref<!tpu.dma_semaphore, #tpu.memory_space<semaphore_mem>>) src(%dma_wait3A_235 : memref<100000x128xf32, #tpu.memory_space<hbm>>) dst(%arg6 : memref<128x128xf32, #tpu.memory_space<vmem>>)
      } else {
      }
      %scan3A_215 = arith.constant 0 : i32
      %scan3A_216 = arith.constant 0 : i32
      %scan3A_217 = arith.constant 128 : i32
      %scan3A_218 = arith.addi %scan3A_216, %scan3A_217 : i32
      %scan3A_219 = arith.constant 1 : i32
      %scan3A_220 = scf.for %scan3A_228 = %scan3A_216 to %scan3A_218 step %scan3A_219 iter_args(%scan3A_229 = %scan3A_215) -> (i32)  : i32 {
        %get3A = arith.index_cast %scan3A_228 : i32 to index
        %get3A_230 = arith.constant 0 : index
        %get3A_231 = tpu.vector_load %arg10[%get3A, %get3A_230] {strides = array<i32>} : memref<128x128xf32, #tpu.memory_space<vmem>>, vector<1x16xf32>,
        %get3A_232 = vector.shape_cast %get3A_231 : vector<1x16xf32> to vector<16xf32>
        %mul3A_233 = arith.constant 11.3137083 : f32
        %mul3A_234 = vector.broadcast %mul3A_233 : f32 to vector<16xf32>
        %mul3A_235 = arith.mulf %get3A_232, %mul3A_234 : vector<16xf32>
        %swap3A = arith.index_cast %scan3A_228 : i32 to index
        %swap3A_236 = arith.constant 0 : index
        %swap3A_237 = tpu.vector_load %arg10[%swap3A, %swap3A_236] {strides = array<i32>} : memref<128x128xf32, #tpu.memory_space<vmem>>, vector<1x16xf32>,
        %swap3A_238 = vector.shape_cast %swap3A_237 : vector<1x16xf32> to vector<16xf32>
        %swap3A_239 = vector.shape_cast %mul3A_235 : vector<16xf32> to vector<1x16xf32>
        tpu.vector_store %arg10[%swap3A, %swap3A_236], %swap3A_239 {strides = array<i32>} : memref<128x128xf32, #tpu.memory_space<vmem>>, vector<1x16xf32>,
        %get3A_240 = arith.index_cast %scan3A_228 : i32 to index
        %get3A_241 = arith.constant 16 : index
        %get3A_242 = tpu.vector_load %arg10[%get3A_240, %get3A_241] {strides = array<i32>} : memref<128x128xf32, #tpu.memory_space<vmem>>, vector<1x16xf32>,
        %get3A_243 = vector.shape_cast %get3A_242 : vector<1x16xf32> to vector<16xf32>
        %mul3A_244 = arith.constant 11.3137083 : f32
        %mul3A_245 = vector.broadcast %mul3A_244 : f32 to vector<16xf32>
        %mul3A_246 = arith.mulf %get3A_243, %mul3A_245 : vector<16xf32>
        %swap3A_247 = arith.index_cast %scan3A_228 : i32 to index
        %swap3A_248 = arith.constant 16 : index
        %swap3A_249 = tpu.vector_load %arg10[%swap3A_247, %swap3A_248] {strides = array<i32>} : memref<128x128xf32, #tpu.memory_space<vmem>>, vector<1x16xf32>,
        %swap3A_250 = vector.shape_cast %swap3A_249 : vector<1x16xf32> to vector<16xf32>
        %swap3A_251 = vector.shape_cast %mul3A_246 : vector<16xf32> to vector<1x16xf32>
        tpu.vector_store %arg10[%swap3A_247, %swap3A_248], %swap3A_251 {strides = array<i32>} : memref<128x128xf32, #tpu.memory_space<vmem>>, vector<1x16xf32>,
        %get3A_252 = arith.index_cast %scan3A_228 : i32 to index
        %get3A_253 = arith.constant 32 : index
        %get3A_254 = tpu.vector_load %arg10[%get3A_252, %get3A_253] {strides = array<i32>} : memref<128x128xf32, #tpu.memory_space<vmem>>, vector<1x16xf32>,
        %get3A_255 = vector.shape_cast %get3A_254 : vector<1x16xf32> to vector<16xf32>
        %mul3A_256 = arith.constant 11.3137083 : f32
        %mul3A_257 = vector.broadcast %mul3A_256 : f32 to vector<16xf32>
        %mul3A_258 = arith.mulf %get3A_255, %mul3A_257 : vector<16xf32>
        %swap3A_259 = arith.index_cast %scan3A_228 : i32 to index
        %swap3A_260 = arith.constant 32 : index
        %swap3A_261 = tpu.vector_load %arg10[%swap3A_259, %swap3A_260] {strides = array<i32>} : memref<128x128xf32, #tpu.memory_space<vmem>>, vector<1x16xf32>,
        %swap3A_262 = vector.shape_cast %swap3A_261 : vector<1x16xf32> to vector<16xf32>
        %swap3A_263 = vector.shape_cast %mul3A_258 : vector<16xf32> to vector<1x16xf32>
        tpu.vector_store %arg10[%swap3A_259, %swap3A_260], %swap3A_263 {strides = array<i32>} : memref<128x128xf32, #tpu.memory_space<vmem>>, vector<1x16xf32>,
        %get3A_264 = arith.index_cast %scan3A_228 : i32 to index
        %get3A_265 = arith.constant 48 : index
        %get3A_266 = tpu.vector_load %arg10[%get3A_264, %get3A_265] {strides = array<i32>} : memref<128x128xf32, #tpu.memory_space<vmem>>, vector<1x16xf32>,
        %get3A_267 = vector.shape_cast %get3A_266 : vector<1x16xf32> to vector<16xf32>
        %mul3A_268 = arith.constant 11.3137083 : f32
        %mul3A_269 = vector.broadcast %mul3A_268 : f32 to vector<16xf32>
        %mul3A_270 = arith.mulf %get3A_267, %mul3A_269 : vector<16xf32>
        %swap3A_271 = arith.index_cast %scan3A_228 : i32 to index
        %swap3A_272 = arith.constant 48 : index
        %swap3A_273 = tpu.vector_load %arg10[%swap3A_271, %swap3A_272] {strides = array<i32>} : memref<128x128xf32, #tpu.memory_space<vmem>>, vector<1x16xf32>,
        %swap3A_274 = vector.shape_cast %swap3A_273 : vector<1x16xf32> to vector<16xf32>
        %swap3A_275 = vector.shape_cast %mul3A_270 : vector<16xf32> to vector<1x16xf32>
        tpu.vector_store %arg10[%swap3A_271, %swap3A_272], %swap3A_275 {strides = array<i32>} : memref<128x128xf32, #tpu.memory_space<vmem>>, vector<1x16xf32>,
        %get3A_276 = arith.index_cast %scan3A_228 : i32 to index
        %get3A_277 = arith.constant 64 : index
        %get3A_278 = tpu.vector_load %arg10[%get3A_276, %get3A_277] {strides = array<i32>} : memref<128x128xf32, #tpu.memory_space<vmem>>, vector<1x16xf32>,
        %get3A_279 = vector.shape_cast %get3A_278 : vector<1x16xf32> to vector<16xf32>
        %mul3A_280 = arith.constant 11.3137083 : f32
        %mul3A_281 = vector.broadcast %mul3A_280 : f32 to vector<16xf32>
        %mul3A_282 = arith.mulf %get3A_279, %mul3A_281 : vector<16xf32>
        %swap3A_283 = arith.index_cast %scan3A_228 : i32 to index
        %swap3A_284 = arith.constant 64 : index
        %swap3A_285 = tpu.vector_load %arg10[%swap3A_283, %swap3A_284] {strides = array<i32>} : memref<128x128xf32, #tpu.memory_space<vmem>>, vector<1x16xf32>,
        %swap3A_286 = vector.shape_cast %swap3A_285 : vector<1x16xf32> to vector<16xf32>
        %swap3A_287 = vector.shape_cast %mul3A_282 : vector<16xf32> to vector<1x16xf32>
        tpu.vector_store %arg10[%swap3A_283, %swap3A_284], %swap3A_287 {strides = array<i32>} : memref<128x128xf32, #tpu.memory_space<vmem>>, vector<1x16xf32>,
        %get3A_288 = arith.index_cast %scan3A_228 : i32 to index
        %get3A_289 = arith.constant 80 : index
        %get3A_290 = tpu.vector_load %arg10[%get3A_288, %get3A_289] {strides = array<i32>} : memref<128x128xf32, #tpu.memory_space<vmem>>, vector<1x16xf32>,
        %get3A_291 = vector.shape_cast %get3A_290 : vector<1x16xf32> to vector<16xf32>
        %mul3A_292 = arith.constant 11.3137083 : f32
        %mul3A_293 = vector.broadcast %mul3A_292 : f32 to vector<16xf32>
        %mul3A_294 = arith.mulf %get3A_291, %mul3A_293 : vector<16xf32>
        %swap3A_295 = arith.index_cast %scan3A_228 : i32 to index
        %swap3A_296 = arith.constant 80 : index
        %swap3A_297 = tpu.vector_load %arg10[%swap3A_295, %swap3A_296] {strides = array<i32>} : memref<128x128xf32, #tpu.memory_space<vmem>>, vector<1x16xf32>,
        %swap3A_298 = vector.shape_cast %swap3A_297 : vector<1x16xf32> to vector<16xf32>
        %swap3A_299 = vector.shape_cast %mul3A_294 : vector<16xf32> to vector<1x16xf32>
        tpu.vector_store %arg10[%swap3A_295, %swap3A_296], %swap3A_299 {strides = array<i32>} : memref<128x128xf32, #tpu.memory_space<vmem>>, vector<1x16xf32>,
        %get3A_300 = arith.index_cast %scan3A_228 : i32 to index
        %get3A_301 = arith.constant 96 : index
        %get3A_302 = tpu.vector_load %arg10[%get3A_300, %get3A_301] {strides = array<i32>} : memref<128x128xf32, #tpu.memory_space<vmem>>, vector<1x16xf32>,
        %get3A_303 = vector.shape_cast %get3A_302 : vector<1x16xf32> to vector<16xf32>
        %mul3A_304 = arith.constant 11.3137083 : f32
        %mul3A_305 = vector.broadcast %mul3A_304 : f32 to vector<16xf32>
        %mul3A_306 = arith.mulf %get3A_303, %mul3A_305 : vector<16xf32>
        %swap3A_307 = arith.index_cast %scan3A_228 : i32 to index
        %swap3A_308 = arith.constant 96 : index
        %swap3A_309 = tpu.vector_load %arg10[%swap3A_307, %swap3A_308] {strides = array<i32>} : memref<128x128xf32, #tpu.memory_space<vmem>>, vector<1x16xf32>,
        %swap3A_310 = vector.shape_cast %swap3A_309 : vector<1x16xf32> to vector<16xf32>
        %swap3A_311 = vector.shape_cast %mul3A_306 : vector<16xf32> to vector<1x16xf32>
        tpu.vector_store %arg10[%swap3A_307, %swap3A_308], %swap3A_311 {strides = array<i32>} : memref<128x128xf32, #tpu.memory_space<vmem>>, vector<1x16xf32>,
        %get3A_312 = arith.index_cast %scan3A_228 : i32 to index
        %get3A_313 = arith.constant 112 : index
        %get3A_314 = tpu.vector_load %arg10[%get3A_312, %get3A_313] {strides = array<i32>} : memref<128x128xf32, #tpu.memory_space<vmem>>, vector<1x16xf32>,
        %get3A_315 = vector.shape_cast %get3A_314 : vector<1x16xf32> to vector<16xf32>
        %mul3A_316 = arith.constant 11.3137083 : f32
        %mul3A_317 = vector.broadcast %mul3A_316 : f32 to vector<16xf32>
        %mul3A_318 = arith.mulf %get3A_315, %mul3A_317 : vector<16xf32>
        %swap3A_319 = arith.index_cast %scan3A_228 : i32 to index
        %swap3A_320 = arith.constant 112 : index
        %swap3A_321 = tpu.vector_load %arg10[%swap3A_319, %swap3A_320] {strides = array<i32>} : memref<128x128xf32, #tpu.memory_space<vmem>>, vector<1x16xf32>,
        %swap3A_322 = vector.shape_cast %swap3A_321 : vector<1x16xf32> to vector<16xf32>
        %swap3A_323 = vector.shape_cast %mul3A_318 : vector<16xf32> to vector<1x16xf32>
        tpu.vector_store %arg10[%swap3A_319, %swap3A_320], %swap3A_323 {strides = array<i32>} : memref<128x128xf32, #tpu.memory_space<vmem>>, vector<1x16xf32>,
        %scan3A_324 = arith.constant 0 : i32
        scf.yield %scan3A_324 : i32
      }
      %scan3A_221 = arith.constant 128 : i32
      %ge3A_222 = arith.constant 1 : i32
      %ge3A_223 = arith.cmpi sge, %add3A_200, %ge3A_222 : i32
      %convert_element_type3A_224 = arith.extui %ge3A_223 : i1 to i32
      %cond3A_225 = arith.constant 0 : i32
      %cond3A_226 = arith.cmpi ne, %convert_element_type3A_224, %cond3A_225 : i32
      scf.if %cond3A_226 {
        %sub3A = arith.constant 1 : i32
        %sub3A_228 = arith.subi %add3A_200, %sub3A : i32
        %dma_start3A_229 = arith.constant 0 : i32
        %dma_start3A_230 = arith.constant 0 : i32
        %dma_start3A_231 = tpu.memref_slice %arg4[%add3A, %sub3A_228, %dma_start3A_229, %dma_start3A_230] : memref<32x50x128x128xf32, #tpu.memory_space<hbm>> -> memref<1x1x128x128xf32, #tpu.memory_space<hbm>>
        %dma_start3A_232 = tpu.memref_squeeze %dma_start3A_231 : memref<1x1x128x128xf32, #tpu.memory_space<hbm>> -> memref<128x128xf32, #tpu.memory_space<hbm>>
        %dma_start3A_233 = arith.constant 0 : i32
        %dma_start3A_234 = arith.constant 0 : i32
        %dma_start3A_235 = tpu.memref_slice %arg4[%add3A, %sub3A_228, %dma_start3A_233, %dma_start3A_234] : memref<32x50x128x128xf32, #tpu.memory_space<hbm>> -> memref<1x1x128x128xf32, #tpu.memory_space<hbm>>
        %dma_start3A_236 = tpu.memref_squeeze %dma_start3A_235 : memref<1x1x128x128xf32, #tpu.memory_space<hbm>> -> memref<128x128xf32, #tpu.memory_space<hbm>>
        tpu.enqueue_dma source(%arg9 : memref<128x128xf32, #tpu.memory_space<vmem>>) target(%dma_start3A_236 : memref<128x128xf32, #tpu.memory_space<hbm>>) target_semaphore(%arg19 : memref<!tpu.dma_semaphore, #tpu.memory_space<semaphore_mem>>)
      } else {
      }
      %scan3A_227 = arith.constant 0 : i32
      scf.yield %scan3A_227 : i32
    }
    %scan3A_32 = arith.constant 10 : i32
    %dma_wait3A_33 = arith.constant 45 : i32
    %dma_wait3A_34 = arith.constant 0 : i32
    %dma_wait3A_35 = arith.constant 0 : i32
    %dma_wait3A_36 = tpu.memref_slice %arg4[%add3A, %dma_wait3A_33, %dma_wait3A_34, %dma_wait3A_35] : memref<32x50x128x128xf32, #tpu.memory_space<hbm>> -> memref<1x1x128x128xf32, #tpu.memory_space<hbm>>
    %dma_wait3A_37 = tpu.memref_squeeze %dma_wait3A_36 : memref<1x1x128x128xf32, #tpu.memory_space<hbm>> -> memref<128x128xf32, #tpu.memory_space<hbm>>
    %dma_wait3A_38 = arith.constant 0 : i32
    %dma_wait3A_39 = arith.constant 0 : i32
    %dma_wait3A_40 = tpu.memref_slice %arg4[%add3A, %dma_wait3A_33, %dma_wait3A_38, %dma_wait3A_39] : memref<32x50x128x128xf32, #tpu.memory_space<hbm>> -> memref<1x1x128x128xf32, #tpu.memory_space<hbm>>
    %dma_wait3A_41 = tpu.memref_squeeze %dma_wait3A_40 : memref<1x1x128x128xf32, #tpu.memory_space<hbm>> -> memref<128x128xf32, #tpu.memory_space<hbm>>
    tpu.wait_dma2 semaphore(%arg16 : memref<!tpu.dma_semaphore, #tpu.memory_space<semaphore_mem>>) src(%arg6 : memref<128x128xf32, #tpu.memory_space<vmem>>) dst(%dma_wait3A_41 : memref<128x128xf32, #tpu.memory_space<hbm>>)
    %dma_wait3A_42 = arith.constant 46 : i32
    %dma_wait3A_43 = arith.constant 0 : i32
    %dma_wait3A_44 = arith.constant 0 : i32
    %dma_wait3A_45 = tpu.memref_slice %arg4[%add3A, %dma_wait3A_42, %dma_wait3A_43, %dma_wait3A_44] : memref<32x50x128x128xf32, #tpu.memory_space<hbm>> -> memref<1x1x128x128xf32, #tpu.memory_space<hbm>>
    %dma_wait3A_46 = tpu.memref_squeeze %dma_wait3A_45 : memref<1x1x128x128xf32, #tpu.memory_space<hbm>> -> memref<128x128xf32, #tpu.memory_space<hbm>>
    %dma_wait3A_47 = arith.constant 0 : i32
    %dma_wait3A_48 = arith.constant 0 : i32
    %dma_wait3A_49 = tpu.memref_slice %arg4[%add3A, %dma_wait3A_42, %dma_wait3A_47, %dma_wait3A_48] : memref<32x50x128x128xf32, #tpu.memory_space<hbm>> -> memref<1x1x128x128xf32, #tpu.memory_space<hbm>>
    %dma_wait3A_50 = tpu.memref_squeeze %dma_wait3A_49 : memref<1x1x128x128xf32, #tpu.memory_space<hbm>> -> memref<128x128xf32, #tpu.memory_space<hbm>>
    tpu.wait_dma2 semaphore(%arg17 : memref<!tpu.dma_semaphore, #tpu.memory_space<semaphore_mem>>) src(%arg7 : memref<128x128xf32, #tpu.memory_space<vmem>>) dst(%dma_wait3A_50 : memref<128x128xf32, #tpu.memory_space<hbm>>)
    %dma_wait3A_51 = arith.constant 47 : i32
    %dma_wait3A_52 = arith.constant 0 : i32
    %dma_wait3A_53 = arith.constant 0 : i32
    %dma_wait3A_54 = tpu.memref_slice %arg4[%add3A, %dma_wait3A_51, %dma_wait3A_52, %dma_wait3A_53] : memref<32x50x128x128xf32, #tpu.memory_space<hbm>> -> memref<1x1x128x128xf32, #tpu.memory_space<hbm>>
    %dma_wait3A_55 = tpu.memref_squeeze %dma_wait3A_54 : memref<1x1x128x128xf32, #tpu.memory_space<hbm>> -> memref<128x128xf32, #tpu.memory_space<hbm>>
    %dma_wait3A_56 = arith.constant 0 : i32
    %dma_wait3A_57 = arith.constant 0 : i32
    %dma_wait3A_58 = tpu.memref_slice %arg4[%add3A, %dma_wait3A_51, %dma_wait3A_56, %dma_wait3A_57] : memref<32x50x128x128xf32, #tpu.memory_space<hbm>> -> memref<1x1x128x128xf32, #tpu.memory_space<hbm>>
    %dma_wait3A_59 = tpu.memref_squeeze %dma_wait3A_58 : memref<1x1x128x128xf32, #tpu.memory_space<hbm>> -> memref<128x128xf32, #tpu.memory_space<hbm>>
    tpu.wait_dma2 semaphore(%arg18 : memref<!tpu.dma_semaphore, #tpu.memory_space<semaphore_mem>>) src(%arg8 : memref<128x128xf32, #tpu.memory_space<vmem>>) dst(%dma_wait3A_59 : memref<128x128xf32, #tpu.memory_space<hbm>>)
    %dma_wait3A_60 = arith.constant 48 : i32
    %dma_wait3A_61 = arith.constant 0 : i32
    %dma_wait3A_62 = arith.constant 0 : i32
    %dma_wait3A_63 = tpu.memref_slice %arg4[%add3A, %dma_wait3A_60, %dma_wait3A_61, %dma_wait3A_62] : memref<32x50x128x128xf32, #tpu.memory_space<hbm>> -> memref<1x1x128x128xf32, #tpu.memory_space<hbm>>
    %dma_wait3A_64 = tpu.memref_squeeze %dma_wait3A_63 : memref<1x1x128x128xf32, #tpu.memory_space<hbm>> -> memref<128x128xf32, #tpu.memory_space<hbm>>
    %dma_wait3A_65 = arith.constant 0 : i32
    %dma_wait3A_66 = arith.constant 0 : i32
    %dma_wait3A_67 = tpu.memref_slice %arg4[%add3A, %dma_wait3A_60, %dma_wait3A_65, %dma_wait3A_66] : memref<32x50x128x128xf32, #tpu.memory_space<hbm>> -> memref<1x1x128x128xf32, #tpu.memory_space<hbm>>
    %dma_wait3A_68 = tpu.memref_squeeze %dma_wait3A_67 : memref<1x1x128x128xf32, #tpu.memory_space<hbm>> -> memref<128x128xf32, #tpu.memory_space<hbm>>
    tpu.wait_dma2 semaphore(%arg19 : memref<!tpu.dma_semaphore, #tpu.memory_space<semaphore_mem>>) src(%arg9 : memref<128x128xf32, #tpu.memory_space<vmem>>) dst(%dma_wait3A_68 : memref<128x128xf32, #tpu.memory_space<hbm>>)
    %dma_start3A_69 = arith.constant 49 : i32
    %dma_start3A_70 = arith.constant 0 : i32
    %dma_start3A_71 = arith.constant 0 : i32
    %dma_start3A_72 = tpu.memref_slice %arg4[%add3A, %dma_start3A_69, %dma_start3A_70, %dma_start3A_71] : memref<32x50x128x128xf32, #tpu.memory_space<hbm>> -> memref<1x1x128x128xf32, #tpu.memory_space<hbm>>
    %dma_start3A_73 = tpu.memref_squeeze %dma_start3A_72 : memref<1x1x128x128xf32, #tpu.memory_space<hbm>> -> memref<128x128xf32, #tpu.memory_space<hbm>>
    %dma_start3A_74 = arith.constant 0 : i32
    %dma_start3A_75 = arith.constant 0 : i32
    %dma_start3A_76 = tpu.memref_slice %arg4[%add3A, %dma_start3A_69, %dma_start3A_74, %dma_start3A_75] : memref<32x50x128x128xf32, #tpu.memory_space<hbm>> -> memref<1x1x128x128xf32, #tpu.memory_space<hbm>>
    %dma_start3A_77 = tpu.memref_squeeze %dma_start3A_76 : memref<1x1x128x128xf32, #tpu.memory_space<hbm>> -> memref<128x128xf32, #tpu.memory_space<hbm>>
    tpu.enqueue_dma source(%arg10 : memref<128x128xf32, #tpu.memory_space<vmem>>) target(%dma_start3A_77 : memref<128x128xf32, #tpu.memory_space<hbm>>) target_semaphore(%arg20 : memref<!tpu.dma_semaphore, #tpu.memory_space<semaphore_mem>>)
    %dma_wait3A_78 = arith.constant 49 : i32
    %dma_wait3A_79 = arith.constant 0 : i32
    %dma_wait3A_80 = arith.constant 0 : i32
    %dma_wait3A_81 = tpu.memref_slice %arg4[%add3A, %dma_wait3A_78, %dma_wait3A_79, %dma_wait3A_80] : memref<32x50x128x128xf32, #tpu.memory_space<hbm>> -> memref<1x1x128x128xf32, #tpu.memory_space<hbm>>
    %dma_wait3A_82 = tpu.memref_squeeze %dma_wait3A_81 : memref<1x1x128x128xf32, #tpu.memory_space<hbm>> -> memref<128x128xf32, #tpu.memory_space<hbm>>
    %dma_wait3A_83 = arith.constant 0 : i32
    %dma_wait3A_84 = arith.constant 0 : i32
    %dma_wait3A_85 = tpu.memref_slice %arg4[%add3A, %dma_wait3A_78, %dma_wait3A_83, %dma_wait3A_84] : memref<32x50x128x128xf32, #tpu.memory_space<hbm>> -> memref<1x1x128x128xf32, #tpu.memory_space<hbm>>
    %dma_wait3A_86 = tpu.memref_squeeze %dma_wait3A_85 : memref<1x1x128x128xf32, #tpu.memory_space<hbm>> -> memref<128x128xf32, #tpu.memory_space<hbm>>
    tpu.wait_dma2 semaphore(%arg20 : memref<!tpu.dma_semaphore, #tpu.memory_space<semaphore_mem>>) src(%arg10 : memref<128x128xf32, #tpu.memory_space<vmem>>) dst(%dma_wait3A_86 : memref<128x128xf32, #tpu.memory_space<hbm>>)
    return
  }
}

</mosaic_0001>

<sc_bundles>
// kernel: _run.3.cloned.1.call-start
scs
__scs_entry_jumppad:
0x0: {  	(pc) =	sbr.rel $0x88, $3  }
0x1: {  	(tag) =	ssettag $0x0;
	lr =	simm.s32 $0x1  }
0x2: {  	[smem:$0x3F9F] =	sst lr;
	_ =	strace $0xD0000000  }
0x3: {  	_ = 	snop  }
0x4: {  	_ = 	snop  }
0x5: {  	_ = 	snop  }
0x6: {  	_ = 	snop  }
0x7: {  	_ = 	snop  }
__scs_overlays_trampoline_lowered:
0x8: {  	[smem:$0x3FAE] =	sst s0  }
0x9: {  	[smem:$0x3FAF] =	sst s1  }
0xa: {  	[smem:$0x3FB0] =	sst s2  }
0xb: {  	[smem:$0x3FB1] =	sst s3  }
0xc: {  	[smem:$0x3FB2] =	sst s4  }
0xd: {  	[smem:$0x3FB3] =	sst s5  }
0xe: {  	[smem:$0x3FB4] =	sst s6  }
0xf: {  	[smem:$0x3FB5] =	sst s7  }
0x10: {  	[smem:$0x3FB6] =	sst s8  }
0x11: {  	[smem:$0x3FB7] =	sst s9;
	s0 =	simm.s32 @!p0 $0x0  }
0x12: {  	s1 =	sld [smem:$0x3F9D];
	s0 =	simm.s32 @p0 $0x1  }
0x13: {  	[smem:$0x3FB8] =	sst s0;
	s0 =	simm.s32 @!p1 $0x0  }
0x14: {  	s2 =	sld [smem:$0x3F9C];
	s0 =	simm.s32 @p1 $0x1  }
0x15: {  	[smem:$0x3FB9] =	sst s0;
	s0 =	simm.s32 @!p2 $0x0  }
0x16: {  	s3 =	sld [smem:$0x3FDB];
	s0 =	simm.s32 @p2 $0x1  }
0x17: {  	s4 =	simm.s32 $0x1BF5;
	[smem:$0x3FBB] =	sst s0  }
0x18: {  	s0 =	sld [smem:$0x3F9E];
	_ =	swait.ge [sflag:s4], $0x0  }
0x19: {  	s7 =	sld [smem:$0x3F9F]  }
0x1a: {  	s8 =	sadd.s32 $0xFFFFE003, lr  }
0x1b: {  	s9 =	sadd.s32 $0xFFFFFEF7, lr;
	s5 =	simm.s32 $0xFFFFFFFF;
	p2 =	slt.u32 s8, $0xFFFFF086  }
0x1c: {  	p1 =	slt.u32 s9, $0xF7A;
	s5 =	simm.s32 @!p2 $0x0  }
0x1d: {  	s5 =	simm.s32 @p1 $0x1;
	p0 =	seq.s32 s7, s2  }
0x1e: {  	s7 =	smul.u32 @!p0 $0xF7A, s2;
	p2 =	seq.s32 @!p0 s5, $0x0  }
0x1f: {  	s9 =	smul.u32 $0xF7A, s1;
	s8 =	simm.s32 @!p0 $0x1BF5;
	p2 =	por !p2, p0  }
0x20: {  	[sflag:s8] =	ssyncset.s32 @!p0 $0xFFFFF086;
	s6 =	sadd.s32 @!p0 s3, s7;
	s7 =	simm.s32 @!p0 $0x108  }
0x21: {  	s3 =	sadd.s32 s3, s9;
	s6 =	sadd.s32 @!p0 $0x88, s6;
	s7 =	simm.s32 @p2 $0x1082  }
0x22: {  	[simem:s7], [sflag:s8] =	dma.local @!p0 [hbm:s6], $0xF7A  }
0x23: {  	s9 =	sor.u32 $0xD0000000, s2;
	s6 =	simm.s32 $0x108;
	_ =	swait.ge @!p0 [sflag:s8], $0x0  }
0x24: {  	s3 =	sadd.s32 $0x88, s3;
	s6 =	simm.s32 @!p1 $0x1082;
	[sflag:s4] =	ssyncset.s32 $0xFFFFF086  }
0x25: {  	[simem:s6], [sflag:s4] =	dma.local [hbm:s3], $0xF7A  }
0x26: {  	[smem:$0x3F9F] =	sst s1;
	(tag) =	ssettag s2;
	_ =	strace s9  }
0x27: {  	s1 =	sld [smem:$0x3FAF]  }
0x28: {  	s2 =	sld [smem:$0x3FB0]  }
0x29: {  	s4 =	sld [smem:$0x3FB2]  }
0x2a: {  	p0 =	seq.s32 s5, $0x0;
	s5 =	sld [smem:$0x3FB3]  }
0x2b: {  	s6 =	sld [smem:$0x3FB4]  }
0x2c: {  	s7 =	sld [smem:$0x3FB5]  }
0x2d: {  	s3 =	simm.s32 $0x108;
	s8 =	sld [smem:$0x3FB6]  }
0x2e: {  	s3 =	simm.s32 @!p0 $0x1082;
	s9 =	sld [smem:$0x3FB7]  }
0x2f: {  	lr =	sadd.s32 s0, s3;
	s0 =	sld [smem:$0x3FAE]  }
0x30: {  	s3 =	sld [smem:$0x3FB1]  }
0x31: {  	[smem:$0x3FBA] =	sst s10  }
0x32: {  	s10 =	sld [smem:$0x3FB8];
	_ =	sdelay $0x3  }
0x33: {  	p0 =	seq.s32 s10, $0x1;
	s10 =	sld [smem:$0x3FBA];
	_ =	sdelay $0x3  }
0x34: {  	[smem:$0x3FBA] =	sst s10  }
0x35: {  	s10 =	sld [smem:$0x3FB9];
	_ =	sdelay $0x3  }
0x36: {  	p1 =	seq.s32 s10, $0x1;
	s10 =	sld [smem:$0x3FBA];
	_ =	sdelay $0x3  }
0x37: {  	[smem:$0x3FBA] =	sst s10  }
0x38: {  	s10 =	sld [smem:$0x3FBB]  }
0x39: {  	_ = 	snop;
	(pc) =	sbr.ind lr, $3  }
0x3a: {  	_ = 	snop  }
0x3b: {  	_ = 	snop  }
0x3c: {  	p2 =	seq.s32 s10, $0x1;
	s10 =	sld [smem:$0x3FBA]  }
0x3d: {  	_ =	shalt  }
0x3e: {  	_ =	shalt  }
0x3f: {  	_ =	shalt  }
0x40: {  	_ =	shalt  }
0x41: {  	_ =	shalt  }
0x42: {  	_ =	shalt  }
0x43: {  	_ =	shalt  }
0x44: {  	_ =	shalt  }
0x45: {  	_ =	shalt  }
0x46: {  	_ =	shalt  }
0x47: {  	_ =	shalt  }
0x48: {  	_ =	shalt  }
0x49: {  	_ =	shalt  }
0x4a: {  	_ =	shalt  }
0x4b: {  	_ =	shalt  }
0x4c: {  	_ =	shalt  }
0x4d: {  	_ =	shalt  }
0x4e: {  	_ =	shalt  }
0x4f: {  	_ =	shalt  }
0x50: {  	_ =	shalt  }
0x51: {  	_ =	shalt  }
0x52: {  	_ =	shalt  }
0x53: {  	_ =	shalt  }
0x54: {  	_ =	shalt  }
0x55: {  	_ =	shalt  }
0x56: {  	_ =	shalt  }
0x57: {  	_ =	shalt  }
0x58: {  	_ =	shalt  }
0x59: {  	_ =	shalt  }
0x5a: {  	_ =	shalt  }
0x5b: {  	_ =	shalt  }
0x5c: {  	_ =	shalt  }
0x5d: {  	_ =	shalt  }
0x5e: {  	_ =	shalt  }
0x5f: {  	_ =	shalt  }
0x60: {  	_ =	shalt  }
0x61: {  	_ =	shalt  }
0x62: {  	_ =	shalt  }
0x63: {  	_ =	shalt  }
0x64: {  	_ =	shalt  }
0x65: {  	_ =	shalt  }
0x66: {  	_ =	shalt  }
0x67: {  	_ =	shalt  }
0x68: {  	_ =	shalt  }
0x69: {  	_ =	shalt  }
0x6a: {  	_ =	shalt  }
0x6b: {  	_ =	shalt  }
0x6c: {  	_ =	shalt  }
0x6d: {  	_ =	shalt  }
0x6e: {  	_ =	shalt  }
0x6f: {  	_ =	shalt  }
0x70: {  	_ =	shalt  }
0x71: {  	_ =	shalt  }
0x72: {  	_ =	shalt  }
0x73: {  	_ =	shalt  }
0x74: {  	_ =	shalt  }
0x75: {  	_ =	shalt  }
0x76: {  	_ =	shalt  }
0x77: {  	_ =	shalt  }
0x78: {  	_ =	shalt  }
0x79: {  	_ =	shalt  }
0x7a: {  	_ =	shalt  }
0x7b: {  	_ =	shalt  }
0x7c: {  	_ =	shalt  }
0x7d: {  	_ =	shalt  }
0x7e: {  	_ =	shalt  }
0x7f: {  	_ =	shalt  }
0x80: {  	_ =	shalt  }
0x81: {  	_ =	shalt  }
0x82: {  	_ =	shalt  }
0x83: {  	_ =	shalt  }
0x84: {  	_ =	shalt  }
0x85: {  	_ =	shalt  }
0x86: {  	_ =	shalt  }
0x87: {  	_ =	shalt  }
.Lfunc_end0:
.L_simem_size_0:
called_computation_lowered:
.L_overlay_start_0:
0x88: {  	s2 =	sld [smem:$0x3FD9]  }
0x89: {  	s3 =	sld [smem:$0x3FFE];
	_ =	sdelay $0x1  }
0x8a: {  	s1 =	srdreg.scid  }
0x8b: {  	s0 =	sand.u32 $0x1, s1  }
0x8c: {  	s17 =	sshll.u32 s0, $0xA;
	s2 =	sadd.s32 s3, s2  }
0x8d: {  	s2 =	sadd.s32 s2, s17  }
0x8e: {  	[smem:$0x3FC6] =	sst s2  }
0x8f: {  	_ = 	snop  }
0x90: {  	s2 =	sld [smem:$0x3FC8]  }
0x91: {  	s18 =	sld [smem:$0x3FD0];
	(tm) =	ssettm $0x1  }
0x92: {  	s4 =	sld [smem:$0x3FFB];
	_ =	sdelay $0x3  }
0x93: {  	_ =	strace s4  }
0x94: {  	s4 =	sld [smem:$0x3FFC];
	_ =	sdelay $0x3  }
0x95: {  	_ =	strace s4  }
0x96: {  	s4 =	sld [smem:$0x3FFD];
	_ =	sdelay $0x3  }
0x97: {  	_ =	strace s4  }
0x98: {  	_ =	strace $0x8FFFFFFF  }
0x99: {  	s19 =	sld [smem:$0x3FDB];
	_ =	sdelay $0x1  }
0x9a: {  	s5 =	simm.s32 $_scs_section_size  }
0x9b: {  	s6 =	simm.s32 $_size__tile_overlayer_lowered;
	s7 =	simm.s32 $_tile_overlayer_lowered  }
0x9c: {  	s22 =	simm.s32 $0x1BFF;
	s21 =	sshll.u32 s7, $0x1;
	s4 =	sadd.s32 s5, s19  }
0x9d: {  	s8 =	simm.s32 $0x0;
	s20 =	sshll.u32 s6, $0x1;
	s6 =	sadd.s32 s21, s4  }
0x9e: {  	[timem:s8], [sflag:s22] =	dma.local [hbm:s6], s20  }
0x9f: {  	_ =	swait.ge [sflag:s22], s20  }
0xa0: {  	s5 =	ssub.s32 $0x0, s20;
	[sflag:s22] =	ssyncset.done $0x0  }
0xa1: {  	[sflag:s22] =	ssyncadd.s32 s5;
	_ =	sdelay $0x1  }
0xa2: {  	s23 =	simm.s32 $0x1B8B  }
0xa3: {  	_ =	swait.ge [sflag:s23], $0x1  }
0xa4: {  	[sflag:s23] =	ssyncset.done $0x0  }
0xa5: {  	s25 =	simm.s32 $0x1B8E;
	s24 =	sld [smem:$0x3FFE];
	[sflag:s23] =	ssyncadd.s32 $0xFFFFFFFF  }
0xa6: {  	s26 =	simm.s32 $execute0_lowered;
	[smem:$0x3FD2] =	sst s25  }
0xa7: {  	s6 =	sshll.u32 s26, $0x1;
	_ =	strace $0x80000046;
	[dreg:$0x1] =	wrdreg $0xFFFFFFFF  }
0xa8: {  	s28 =	simm.s32 $_size_execute0_lowered;
	s4 =	sadd.s32 s4, s6;
	[dreg:$0x0] =	wrdreg $0x0  }
0xa9: {  	s6 =	sshll.u32 s28, $0x1;
	[dreg:$0x2] =	wrdreg s4  }
0xaa: {  	[dreg:$0x3] =	wrdreg s6  }
0xab: {  	[dreg:$0x4] =	wrdreg $0xC0  }
0xac: {  	_ =	task [dreg:s8], $0x5FFFF  }
0xad: {  	[dreg:$0x1] =	wrdreg $0xFFFFFFFF  }
0xae: {  	[dreg:$0x0] =	wrdreg $0x60  }
0xaf: {  	[dreg:$0x2] =	wrdreg s24  }
0xb0: {  	[dreg:$0x3] =	wrdreg s2  }
0xb1: {  	[dreg:$0x4] =	wrdreg s18  }
0xb2: {  	[dreg:$0x5] =	wrdreg $0x9  }
0xb3: {  	_ =	task.clear_ibuf [dreg:s8], $0x6FFFF;
	_ =	strace $0x90000046  }
0xb4: {  	s29 =	simm.s32 $0x9;
	_ =	strace $0x80000048  }
0xb5: {  	_ =	swait.ge [sflag:s29], $0x1  }
0xb6: {  	[sflag:s29] =	ssyncadd.s32 $0xFFFFFFFF  }
0xb7: {  	_ =	strace $0x90000048  }
0xb8: {  	_ =	sfence  }
0xb9: {  	s30 =	sld [smem:$0x0];
	_ =	sdelay $0x2  }
0xba: {  	s31 =	sshll.u32 s1, $0xD;
	s1 =	sshrl.u32 s1, $0x2  }
0xbb: {  	s3 =	sand.u32 $0x4000, s31;
	s1 =	sadd.s32 s1, s30  }
0xbc: {  	s0 =	sor.u32 s3, s0;
	s1 =	sshll.u32 s1, $0x11  }
0xbd: {  	s0 =	sor.u32 s1, s0  }
0xbe: {  	s0 =	sadd.s32 $0x8F2B, s0  }
0xbf: {  	[sflag:s0] =	ssyncadd.remote.s32 $0x1  }
0xc0: {  	_ =	sfence.sel $0xFFFF  }
0xc1: {  	[dreg:$0x0] =	wrdreg $0xFFFFFFFF;
	(pc) =	sbr.abs _section_cstart, $3  }
0xc2: {  	[dreg:$0x1] =	wrdreg $0xFFFFFFFF  }
0xc3: {  	_ =	task.clear_ibuf [dreg:s8], $0x2FFFF;
	_ =	strace $0x9FFFFFFF  }
0xc4: {  	(tm) =	ssettm $0x7FFFFFFF  }
0xc5: {  	_ =	shalt  }
tec
execute0_lowered:
.L_overlay_start_1:
0x0: {  	(tag) =	ssettag $0x1  }
0x1: {  	s0 =	rddreg [dreg:$0x0]  }
0x2: {  	s2 =	rddreg [dreg:$0x1];
	s1 =	srdreg.scid  }
0x3: {  	s4 =	stileid.u32;
	s3 =	rddreg [dreg:$0x2];
	s13 =	simm.s32 $0x80  }
0x4: {  	s14 =	simm.s32 $0x1C00;
	s15 =	simm.s32 $0x5C00;
	s17 =	simm.s32 $0x9C00  }
0x5: {  	s18 =	simm.s32 $0x1;
	s19 =	simm.s32 $0xDC00;
	s20 =	simm.s32 $0x2  }
0x6: {  	s21 =	simm.s32 $0x11C00;
	s22 =	simm.s32 $0x3;
	s23 =	simm.s32 $0x4  }
0x7: {  	s24 =	simm.s32 $0x5;
	s1 =	sand.u32 $0x1, s1;
	s4 =	sshll.u32 s4, $0x1  }
0x8: {  	s28 =	simm.s32 $0x8;
	s29 =	simm.s32 $0x9;
	s5 =	sor.u32 s1, s4  }
0x9: {  	s30 =	simm.s32 $0xA;
	s4 =	simm.s32 $0x0;
	s6 =	smul.u32 $0x380, s5  }
0xa: {  	s1 =	ssub.s32 $0x2, s1;
	[smem:$0x7FF] =	sst s4;
	s5 =	smul.u32 $0xC8000, s5  }
0xb: {  	s31 =	simm.s32 $0x0;
	s7 =	sshrl.u32 s1, $0x1;
	_ =	strace $0x80000047  }
0xc: {  	s1 =	ssub.s32 s1, s7;
	s0 =	sadd.s32 s6, s0;
	s7 =	sadd.s32 $0xFFFFC000, s5  }
0xd: {  	s25 =	sshrl.u32 s5, $0x3;
	s8 =	sor.u32 $0x4000, s5;
	s0 =	sadd.s32 $0x400, s0  }
0xe: {  	s26 =	smax.u32 s1, $0x1;
	[dreg:$0x4] =	wrdreg s0;
	s0 =	sadd.s32 s3, s25  }
0xf: {  	s9 =	sadd.s32 $0x8000, s5;
	[dreg:$0x6] =	wrdreg s26;
	s0 =	sadd.s32 $0x18800, s0  }
0x10: {  	s26 =	simm.s32 $0x7;
	s25 =	simm.s32 $0x6;
	[dreg:$0x5] =	wrdreg s0  }
.LBB2_1:
0x11: {  	s0 =	rddreg [dreg:$0x4];
	s12 =	simm.s32 $0xB  }
0x12: {  	[tilespmem:s4], [sflag:$0xB] =	stream.linear.gather [hbm4b:s0+s4], $0x1900, $0x38;
	[tilespmem:$0x15C00] =	vst v63  }
0x13: {  	_ =	swait.ge [sflag:s12], $0x1900  }
0x14: {  	[sflag:s12] =	ssyncset.done $0x0  }
0x15: {  	[sflag:s12] =	ssyncadd.s32 $0xFFFFE700  }
0x16: {  	[tilespmem:s14], [sflag:$0x1] =	stream.indirect.gather [hbm4b:s2+s13], $0x80, s4, s13, $0xb8;
	[tilespmem:$0x15C00] =	vst v63  }
0x17: {  	_ = 	snop  }
0x18: {  	[tilespmem:s15], [sflag:$0x2] =	stream.indirect.gather [hbm4b:s2+s13], $0x80, s13, s13, $0xb8;
	[tilespmem:$0x15C00] =	vst v63  }
0x19: {  	s16 =	simm.s32 $0x100  }
0x1a: {  	[tilespmem:s17], [sflag:$0x3] =	stream.indirect.gather [hbm4b:s2+s13], $0x80, s16, s13, $0xb8;
	[tilespmem:$0x15C00] =	vst v63  }
0x1b: {  	_ =	swait.ge [sflag:s18], $0x4000  }
0x1c: {  	[sflag:s18] =	ssyncset.done $0x0  }
0x1d: {  	s1 =	simm.s32 $0x0;
	[sflag:s18] =	ssyncadd.s32 $0xFFFFC000  }
.LBB2_2:
0x1e: {  	s0 =	smul.u32 $0x5, s1;
	p0 =	seq.s32 s1, $0x0  }
0x1f: {  	s6 =	simm.s32 @!p0 $0x9  }
0x20: {  	s0 =	sadd.s32 $0x3, s0;
	_ =	swait.ge @!p0 [sflag:s6], $0x4000  }
0x21: {  	[sflag:s6] =	ssyncset.done @!p0 $0x0;
	s10 =	sshll.u32 s0, $0x7  }
0x22: {  	[sflag:s6] =	ssyncadd.s32 @!p0 $0xFFFFC000;
	s16 =	sand.u32 $0x3FFFFF80, s10  }
0x23: {  	[tilespmem:s19], [sflag:$0x4] =	stream.indirect.gather [hbm4b:s2+s13], $0x80, s16, s13, $0xb8;
	[tilespmem:$0x15C00] =	vst v63  }
0x24: {  	_ =	swait.ge [sflag:s20], $0x4000  }
0x25: {  	[sflag:s20] =	ssyncset.done $0x0  }
0x26: {  	s6 =	simm.s32 $0x0;
	[sflag:s20] =	ssyncadd.s32 $0xFFFFC000  }
0x27: {  	v2 =	vld [tilespmem:s6+$0x1C00]  }
0x28: {  	v5 =	vld [tilespmem:s6+$0x1C10]  }
0x29: {  	v4 =	vld [tilespmem:s6+$0x1C20]  }
0x2a: {  	v3 =	vld [tilespmem:s6+$0x1C30]  }
0x2b: {  	v0 =	vld [tilespmem:s6+$0x1C40]  }
0x2c: {  	v1 =	vld [tilespmem:s6+$0x1C50];
	v6 =	vmul.f32 $1.131370830e+01, v2  }
0x2d: {  	s10 =	simm.s32 $0x200;
	v5 =	vmul.f32 $1.131370830e+01, v5;
	v2 =	vld [tilespmem:s6+$0x1C60]  }
.LBB2_3:
0x2e: {  	s11 =	sshra.s32 s10, $0x2;
	p1 =	sne.s32 s10, $0xFE00;
	[tilespmem:s6+$0x1C00] =	vst v6;
	v4 =	vmul.f32 $1.131370830e+01, v4;
	v6 =	vld [tilespmem:s6+$0x1C70]  }
0x2f: {  	v7 =	vld [tilespmem:s11+$0x1C00];
	[tilespmem:s6+$0x1C10] =	vst v5;
	v3 =	vmul.f32 $1.131370830e+01, v3  }
0x30: {  	v5 =	vld [tilespmem:s11+$0x1C10];
	[tilespmem:s6+$0x1C20] =	vst v4;
	v0 =	vmul.f32 $1.131370830e+01, v0  }
.Ltmp0:
0x31: {  	v4 =	vld [tilespmem:s11+$0x1C20];
	[tilespmem:s6+$0x1C30] =	vst v3;
	v1 =	vmul.f32 $1.131370830e+01, v1;
	(pc) =	sbr.rel @p1 .LBB2_3-.Ltmp0, $4  }
0x32: {  	v3 =	vld [tilespmem:s11+$0x1C30];
	[tilespmem:s6+$0x1C40] =	vst v0;
	v2 =	vmul.f32 $1.131370830e+01, v2  }
0x33: {  	v0 =	vld [tilespmem:s11+$0x1C40];
	[tilespmem:s6+$0x1C50] =	vst v1;
	v8 =	vmul.f32 $1.131370830e+01, v6  }
0x34: {  	v6 =	vmul.f32 $1.131370830e+01, v7;
	v1 =	vld [tilespmem:s11+$0x1C50];
	[tilespmem:s6+$0x1C60] =	vst v2  }
0x35: {  	s10 =	sadd.s32 $0x200, s10;
	v5 =	vmul.f32 $1.131370830e+01, v5;
	v2 =	vld [tilespmem:s11+$0x1C60];
	[tilespmem:s6+$0x1C70] =	vst v8;
	s6 =	smov.u32 s11  }
0x36: {  	[tilespmem:s6+$0x1C00] =	vst v6;
	v4 =	vmul.f32 $1.131370830e+01, v4;
	v6 =	vld [tilespmem:s6+$0x1C70]  }
0x37: {  	[tilespmem:s6+$0x1C10] =	vst v5;
	v3 =	vmul.f32 $1.131370830e+01, v3  }
0x38: {  	[tilespmem:s6+$0x1C20] =	vst v4;
	v0 =	vmul.f32 $1.131370830e+01, v0  }
0x39: {  	s10 =	smul.u32 @!p0 $0x14000, s1;
	[tilespmem:s6+$0x1C30] =	vst v3;
	v1 =	vmul.f32 $1.131370830e+01, v1  }
0x3a: {  	[tilespmem:s6+$0x1C40] =	vst v0;
	v0 =	vmul.f32 $1.131370830e+01, v2  }
0x3b: {  	s10 =	sadd.s32 @!p0 s10, s7;
	[tilespmem:s6+$0x1C50] =	vst v1;
	v1 =	vmul.f32 $1.131370830e+01, v6  }
0x3c: {  	s10 =	sshrl.u32 @!p0 s10, $0x3;
	[tilespmem:s6+$0x1C60] =	vst v0  }
0x3d: {  	s11 =	simm.s32 @!p0 $0x11C00;
	[tilespmem:s6+$0x1C70] =	vst v1;
	s6 =	sadd.s32 @!p0 s3, s10;
	s10 =	simm.s32 @!p0 $0x0  }
0x3e: {  	[hbm4b:s6+s10] =	stream.linear.scatter @!p0 [tilespmem:s11], [sflag:$0xA], $0x4000, $0x38;
	[tilespmem:$0x15C00] =	vst v63  }
0x3f: {  	s6 =	simm.s32 @!p0 $0xA;
	s11 =	smul.u32 $0xA00, s1  }
0x40: {  	_ =	swait.ge @!p0 [sflag:s6], $0x4000  }
0x41: {  	[sflag:s6] =	ssyncset.done @!p0 $0x0;
	s16 =	sshra.s32 s11, $0x2  }
0x42: {  	[sflag:s6] =	ssyncadd.s32 @!p0 $0xFFFFC000;
	s12 =	sadd.s32 $0x200, s16  }
0x43: {  	[tilespmem:s21], [sflag:$0x5] =	stream.indirect.gather [hbm4b:s2+s13], $0x80, s12, s13, $0xb8;
	[tilespmem:$0x15C00] =	vst v63  }
0x44: {  	_ =	swait.ge [sflag:s22], $0x4000  }
0x45: {  	[sflag:s22] =	ssyncset.done $0x0  }
0x46: {  	s10 =	simm.s32 $0x0;
	[sflag:s22] =	ssyncadd.s32 $0xFFFFC000  }
0x47: {  	v2 =	vld [tilespmem:s10+$0x5C00]  }
0x48: {  	v5 =	vld [tilespmem:s10+$0x5C10]  }
0x49: {  	v4 =	vld [tilespmem:s10+$0x5C20]  }
0x4a: {  	v3 =	vld [tilespmem:s10+$0x5C30]  }
0x4b: {  	v0 =	vld [tilespmem:s10+$0x5C40]  }
0x4c: {  	v1 =	vld [tilespmem:s10+$0x5C50];
	v6 =	vmul.f32 $1.131370830e+01, v2  }
0x4d: {  	s6 =	simm.s32 $0x200;
	v5 =	vmul.f32 $1.131370830e+01, v5;
	v2 =	vld [tilespmem:s10+$0x5C60]  }
.LBB2_5:
0x4e: {  	s11 =	sshra.s32 s6, $0x2;
	p0 =	sne.s32 s6, $0xFE00;
	[tilespmem:s10+$0x5C00] =	vst v6;
	v4 =	vmul.f32 $1.131370830e+01, v4;
	v6 =	vld [tilespmem:s10+$0x5C70]  }
0x4f: {  	v7 =	vld [tilespmem:s11+$0x5C00];
	[tilespmem:s10+$0x5C10] =	vst v5;
	v3 =	vmul.f32 $1.131370830e+01, v3  }
0x50: {  	v5 =	vld [tilespmem:s11+$0x5C10];
	[tilespmem:s10+$0x5C20] =	vst v4;
	v0 =	vmul.f32 $1.131370830e+01, v0  }
.Ltmp1:
0x51: {  	v4 =	vld [tilespmem:s11+$0x5C20];
	[tilespmem:s10+$0x5C30] =	vst v3;
	v1 =	vmul.f32 $1.131370830e+01, v1;
	(pc) =	sbr.rel @p0 .LBB2_5-.Ltmp1, $4  }
0x52: {  	v3 =	vld [tilespmem:s11+$0x5C30];
	[tilespmem:s10+$0x5C40] =	vst v0;
	v2 =	vmul.f32 $1.131370830e+01, v2  }
0x53: {  	v0 =	vld [tilespmem:s11+$0x5C40];
	[tilespmem:s10+$0x5C50] =	vst v1;
	v8 =	vmul.f32 $1.131370830e+01, v6  }
0x54: {  	v6 =	vmul.f32 $1.131370830e+01, v7;
	v1 =	vld [tilespmem:s11+$0x5C50];
	[tilespmem:s10+$0x5C60] =	vst v2  }
0x55: {  	s6 =	sadd.s32 $0x200, s6;
	v5 =	vmul.f32 $1.131370830e+01, v5;
	v2 =	vld [tilespmem:s11+$0x5C60];
	[tilespmem:s10+$0x5C70] =	vst v8;
	s10 =	smov.u32 s11  }
0x56: {  	[tilespmem:s10+$0x5C00] =	vst v6;
	v4 =	vmul.f32 $1.131370830e+01, v4;
	v6 =	vld [tilespmem:s10+$0x5C70]  }
0x57: {  	[tilespmem:s10+$0x5C10] =	vst v5;
	v3 =	vmul.f32 $1.131370830e+01, v3  }
0x58: {  	[tilespmem:s10+$0x5C20] =	vst v4;
	v0 =	vmul.f32 $1.131370830e+01, v0  }
0x59: {  	s6 =	smul.u32 $0x14000, s1;
	[tilespmem:s10+$0x5C30] =	vst v3;
	v1 =	vmul.f32 $1.131370830e+01, v1  }
0x5a: {  	[tilespmem:s10+$0x5C40] =	vst v0;
	v0 =	vmul.f32 $1.131370830e+01, v2  }
0x5b: {  	s11 =	sadd.s32 s5, s6;
	[tilespmem:s10+$0x5C50] =	vst v1;
	v1 =	vmul.f32 $1.131370830e+01, v6  }
0x5c: {  	p0 =	seq.s32 s1, $0x9;
	s11 =	sshrl.u32 s11, $0x3;
	[tilespmem:s10+$0x5C60] =	vst v0  }
0x5d: {  	s12 =	sadd.s32 s3, s11;
	[tilespmem:s10+$0x5C70] =	vst v1;
	s10 =	simm.s32 @!p0 $0x6  }
0x5e: {  	[hbm4b:s12+s4] =	stream.linear.scatter [tilespmem:s14], [sflag:$0x6], $0x4000, $0x38;
	[tilespmem:$0x15C00] =	vst v63  }
0x5f: {  	_ =	swait.ge @!p0 [sflag:s10], $0x4000  }
0x60: {  	s11 =	simm.s32 @!p0 $0x80;
	[sflag:s10] =	ssyncset.done @!p0 $0x0  }
0x61: {  	s12 =	simm.s32 @!p0 $0x1C00;
	[sflag:s10] =	ssyncadd.s32 @!p0 $0xFFFFC000;
	s10 =	sadd.s32 @!p0 $0x280, s16  }
0x62: {  	[tilespmem:s12], [sflag:$0x1] =	stream.indirect.gather @!p0 [hbm4b:s2+s11], $0x80, s10, s11, $0xb8;
	[tilespmem:$0x15C00] =	vst v63  }
0x63: {  	_ =	swait.ge [sflag:s23], $0x4000  }
0x64: {  	[sflag:s23] =	ssyncset.done $0x0  }
0x65: {  	s10 =	simm.s32 $0x0;
	[sflag:s23] =	ssyncadd.s32 $0xFFFFC000  }
0x66: {  	v3 =	vld [tilespmem:s10+$0x9C00]  }
0x67: {  	v5 =	vld [tilespmem:s10+$0x9C10]  }
0x68: {  	v4 =	vld [tilespmem:s10+$0x9C20]  }
0x69: {  	v2 =	vld [tilespmem:s10+$0x9C30]  }
0x6a: {  	v0 =	vld [tilespmem:s10+$0x9C40]  }
0x6b: {  	v1 =	vld [tilespmem:s10+$0x9C50];
	v6 =	vmul.f32 $1.131370830e+01, v3  }
0x6c: {  	s11 =	simm.s32 $0x200;
	v5 =	vmul.f32 $1.131370830e+01, v5;
	v3 =	vld [tilespmem:s10+$0x9C60]  }
.LBB2_7:
0x6d: {  	s12 =	sshra.s32 s11, $0x2;
	p1 =	sne.s32 s11, $0xFE00;
	[tilespmem:s10+$0x9C00] =	vst v6;
	v4 =	vmul.f32 $1.131370830e+01, v4;
	v6 =	vld [tilespmem:s10+$0x9C70]  }
0x6e: {  	v7 =	vld [tilespmem:s12+$0x9C00];
	[tilespmem:s10+$0x9C10] =	vst v5;
	v2 =	vmul.f32 $1.131370830e+01, v2  }
0x6f: {  	v5 =	vld [tilespmem:s12+$0x9C10];
	[tilespmem:s10+$0x9C20] =	vst v4;
	v0 =	vmul.f32 $1.131370830e+01, v0  }
.Ltmp2:
0x70: {  	v4 =	vld [tilespmem:s12+$0x9C20];
	[tilespmem:s10+$0x9C30] =	vst v2;
	v1 =	vmul.f32 $1.131370830e+01, v1;
	(pc) =	sbr.rel @p1 .LBB2_7-.Ltmp2, $4  }
0x71: {  	v2 =	vld [tilespmem:s12+$0x9C30];
	[tilespmem:s10+$0x9C40] =	vst v0;
	v3 =	vmul.f32 $1.131370830e+01, v3  }
0x72: {  	v0 =	vld [tilespmem:s12+$0x9C40];
	[tilespmem:s10+$0x9C50] =	vst v1;
	v8 =	vmul.f32 $1.131370830e+01, v6  }
0x73: {  	v6 =	vmul.f32 $1.131370830e+01, v7;
	v1 =	vld [tilespmem:s12+$0x9C50];
	[tilespmem:s10+$0x9C60] =	vst v3  }
0x74: {  	s11 =	sadd.s32 $0x200, s11;
	v5 =	vmul.f32 $1.131370830e+01, v5;
	v3 =	vld [tilespmem:s12+$0x9C60];
	[tilespmem:s10+$0x9C70] =	vst v8;
	s10 =	smov.u32 s12  }
0x75: {  	[tilespmem:s10+$0x9C00] =	vst v6;
	v4 =	vmul.f32 $1.131370830e+01, v4;
	v6 =	vld [tilespmem:s10+$0x9C70]  }
0x76: {  	[tilespmem:s10+$0x9C10] =	vst v5;
	v2 =	vmul.f32 $1.131370830e+01, v2  }
0x77: {  	[tilespmem:s10+$0x9C20] =	vst v4;
	v0 =	vmul.f32 $1.131370830e+01, v0  }
0x78: {  	[tilespmem:s10+$0x9C30] =	vst v2;
	v1 =	vmul.f32 $1.131370830e+01, v1  }
0x79: {  	[tilespmem:s10+$0x9C40] =	vst v0;
	v0 =	vmul.f32 $1.131370830e+01, v3  }
0x7a: {  	s11 =	sadd.s32 s8, s6;
	[tilespmem:s10+$0x9C50] =	vst v1;
	v1 =	vmul.f32 $1.131370830e+01, v6  }
0x7b: {  	s11 =	sshrl.u32 s11, $0x3;
	[tilespmem:s10+$0x9C60] =	vst v0  }
0x7c: {  	s12 =	sadd.s32 s3, s11;
	[tilespmem:s10+$0x9C70] =	vst v1;
	s10 =	simm.s32 @!p0 $0x7  }
0x7d: {  	[hbm4b:s12+s4] =	stream.linear.scatter [tilespmem:s15], [sflag:$0x7], $0x4000, $0x38;
	[tilespmem:$0x15C00] =	vst v63  }
0x7e: {  	_ =	swait.ge @!p0 [sflag:s10], $0x4000  }
0x7f: {  	s11 =	simm.s32 @!p0 $0x80;
	[sflag:s10] =	ssyncset.done @!p0 $0x0  }
0x80: {  	s12 =	simm.s32 @!p0 $0x5C00;
	[sflag:s10] =	ssyncadd.s32 @!p0 $0xFFFFC000;
	s10 =	sadd.s32 @!p0 $0x300, s16  }
0x81: {  	[tilespmem:s12], [sflag:$0x2] =	stream.indirect.gather @!p0 [hbm4b:s2+s11], $0x80, s10, s11, $0xb8;
	[tilespmem:$0x15C00] =	vst v63  }
0x82: {  	_ =	swait.ge [sflag:s24], $0x4000  }
0x83: {  	[sflag:s24] =	ssyncset.done $0x0  }
0x84: {  	s10 =	simm.s32 $0x0;
	[sflag:s24] =	ssyncadd.s32 $0xFFFFC000  }
0x85: {  	v3 =	vld [tilespmem:s10+$0xDC00]  }
0x86: {  	v5 =	vld [tilespmem:s10+$0xDC10]  }
0x87: {  	v4 =	vld [tilespmem:s10+$0xDC20]  }
0x88: {  	v2 =	vld [tilespmem:s10+$0xDC30]  }
0x89: {  	v0 =	vld [tilespmem:s10+$0xDC40]  }
0x8a: {  	v1 =	vld [tilespmem:s10+$0xDC50];
	v6 =	vmul.f32 $1.131370830e+01, v3  }
0x8b: {  	s11 =	simm.s32 $0x200;
	v5 =	vmul.f32 $1.131370830e+01, v5;
	v3 =	vld [tilespmem:s10+$0xDC60]  }
.LBB2_9:
0x8c: {  	s12 =	sshra.s32 s11, $0x2;
	p1 =	sne.s32 s11, $0xFE00;
	[tilespmem:s10+$0xDC00] =	vst v6;
	v4 =	vmul.f32 $1.131370830e+01, v4;
	v6 =	vld [tilespmem:s10+$0xDC70]  }
0x8d: {  	v7 =	vld [tilespmem:s12+$0xDC00];
	[tilespmem:s10+$0xDC10] =	vst v5;
	v2 =	vmul.f32 $1.131370830e+01, v2  }
0x8e: {  	v5 =	vld [tilespmem:s12+$0xDC10];
	[tilespmem:s10+$0xDC20] =	vst v4;
	v0 =	vmul.f32 $1.131370830e+01, v0  }
.Ltmp3:
0x8f: {  	v4 =	vld [tilespmem:s12+$0xDC20];
	[tilespmem:s10+$0xDC30] =	vst v2;
	v1 =	vmul.f32 $1.131370830e+01, v1;
	(pc) =	sbr.rel @p1 .LBB2_9-.Ltmp3, $4  }
0x90: {  	v2 =	vld [tilespmem:s12+$0xDC30];
	[tilespmem:s10+$0xDC40] =	vst v0;
	v3 =	vmul.f32 $1.131370830e+01, v3  }
0x91: {  	v0 =	vld [tilespmem:s12+$0xDC40];
	[tilespmem:s10+$0xDC50] =	vst v1;
	v8 =	vmul.f32 $1.131370830e+01, v6  }
0x92: {  	v6 =	vmul.f32 $1.131370830e+01, v7;
	v1 =	vld [tilespmem:s12+$0xDC50];
	[tilespmem:s10+$0xDC60] =	vst v3  }
0x93: {  	s11 =	sadd.s32 $0x200, s11;
	v5 =	vmul.f32 $1.131370830e+01, v5;
	v3 =	vld [tilespmem:s12+$0xDC60];
	[tilespmem:s10+$0xDC70] =	vst v8;
	s10 =	smov.u32 s12  }
0x94: {  	[tilespmem:s10+$0xDC00] =	vst v6;
	v4 =	vmul.f32 $1.131370830e+01, v4;
	v6 =	vld [tilespmem:s10+$0xDC70]  }
0x95: {  	[tilespmem:s10+$0xDC10] =	vst v5;
	v2 =	vmul.f32 $1.131370830e+01, v2  }
0x96: {  	[tilespmem:s10+$0xDC20] =	vst v4;
	v0 =	vmul.f32 $1.131370830e+01, v0  }
0x97: {  	[tilespmem:s10+$0xDC30] =	vst v2;
	v1 =	vmul.f32 $1.131370830e+01, v1  }
0x98: {  	[tilespmem:s10+$0xDC40] =	vst v0;
	v0 =	vmul.f32 $1.131370830e+01, v3  }
0x99: {  	s6 =	sadd.s32 s9, s6;
	[tilespmem:s10+$0xDC50] =	vst v1;
	v1 =	vmul.f32 $1.131370830e+01, v6  }
0x9a: {  	s6 =	sshrl.u32 s6, $0x3;
	[tilespmem:s10+$0xDC60] =	vst v0  }
0x9b: {  	s6 =	sadd.s32 s3, s6;
	[tilespmem:s10+$0xDC70] =	vst v1  }
0x9c: {  	[hbm4b:s6+s4] =	stream.linear.scatter [tilespmem:s17], [sflag:$0x8], $0x4000, $0x38;
	[tilespmem:$0x15C00] =	vst v63  }
0x9d: {  	s6 =	simm.s32 @!p0 $0x8  }
0x9e: {  	_ =	swait.ge @!p0 [sflag:s6], $0x4000  }
0x9f: {  	s11 =	simm.s32 @!p0 $0x9C00;
	[sflag:s6] =	ssyncset.done @!p0 $0x0  }
0xa0: {  	s10 =	simm.s32 @!p0 $0x80;
	[sflag:s6] =	ssyncadd.s32 @!p0 $0xFFFFC000;
	s6 =	sadd.s32 @!p0 $0x380, s16  }
0xa1: {  	[tilespmem:s11], [sflag:$0x3] =	stream.indirect.gather @!p0 [hbm4b:s2+s10], $0x80, s6, s10, $0xb8;
	[tilespmem:$0x15C00] =	vst v63  }
0xa2: {  	s6 =	simm.s32 @!p0 $0x1  }
0xa3: {  	_ =	swait.ge @!p0 [sflag:s6], $0x4000  }
0xa4: {  	[sflag:s6] =	ssyncset.done @!p0 $0x0  }
0xa5: {  	[sflag:s6] =	ssyncadd.s32 @!p0 $0xFFFFC000;
	s6 =	simm.s32 $0x0  }
0xa6: {  	v3 =	vld [tilespmem:s6+$0x11C00]  }
0xa7: {  	v5 =	vld [tilespmem:s6+$0x11C10]  }
0xa8: {  	v4 =	vld [tilespmem:s6+$0x11C20]  }
0xa9: {  	v2 =	vld [tilespmem:s6+$0x11C30]  }
0xaa: {  	v0 =	vld [tilespmem:s6+$0x11C40]  }
0xab: {  	v1 =	vld [tilespmem:s6+$0x11C50];
	v6 =	vmul.f32 $1.131370830e+01, v3  }
0xac: {  	s10 =	simm.s32 $0x200;
	v5 =	vmul.f32 $1.131370830e+01, v5;
	v3 =	vld [tilespmem:s6+$0x11C60]  }
.LBB2_11:
0xad: {  	s11 =	sshra.s32 s10, $0x2;
	p0 =	sne.s32 s10, $0xFE00;
	[tilespmem:s6+$0x11C00] =	vst v6;
	v4 =	vmul.f32 $1.131370830e+01, v4;
	v6 =	vld [tilespmem:s6+$0x11C70]  }
0xae: {  	v7 =	vld [tilespmem:s11+$0x11C00];
	[tilespmem:s6+$0x11C10] =	vst v5;
	v2 =	vmul.f32 $1.131370830e+01, v2  }
0xaf: {  	v5 =	vld [tilespmem:s11+$0x11C10];
	[tilespmem:s6+$0x11C20] =	vst v4;
	v0 =	vmul.f32 $1.131370830e+01, v0  }
.Ltmp4:
0xb0: {  	v4 =	vld [tilespmem:s11+$0x11C20];
	[tilespmem:s6+$0x11C30] =	vst v2;
	v1 =	vmul.f32 $1.131370830e+01, v1;
	(pc) =	sbr.rel @p0 .LBB2_11-.Ltmp4, $4  }
0xb1: {  	v2 =	vld [tilespmem:s11+$0x11C30];
	[tilespmem:s6+$0x11C40] =	vst v0;
	v3 =	vmul.f32 $1.131370830e+01, v3  }
0xb2: {  	v0 =	vld [tilespmem:s11+$0x11C40];
	[tilespmem:s6+$0x11C50] =	vst v1;
	v8 =	vmul.f32 $1.131370830e+01, v6  }
0xb3: {  	v6 =	vmul.f32 $1.131370830e+01, v7;
	v1 =	vld [tilespmem:s11+$0x11C50];
	[tilespmem:s6+$0x11C60] =	vst v3  }
0xb4: {  	s10 =	sadd.s32 $0x200, s10;
	v5 =	vmul.f32 $1.131370830e+01, v5;
	v3 =	vld [tilespmem:s11+$0x11C60];
	[tilespmem:s6+$0x11C70] =	vst v8;
	s6 =	smov.u32 s11  }
0xb5: {  	[tilespmem:s6+$0x11C00] =	vst v6;
	v4 =	vmul.f32 $1.131370830e+01, v4;
	v61 =	vld [tilespmem:s6+$0x11C70]  }
0xb6: {  	[tilespmem:s6+$0x11C10] =	vst v5;
	v2 =	vmul.f32 $1.131370830e+01, v2  }
0xb7: {  	s1 =	sadd.s32 $0x1, s1;
	[tilespmem:s6+$0x11C20] =	vst v4;
	v0 =	vmul.f32 $1.131370830e+01, v0  }
0xb8: {  	p0 =	sne.s32 s1, $0xA;
	[tilespmem:s6+$0x11C30] =	vst v2;
	v1 =	vmul.f32 $1.131370830e+01, v1  }
.Ltmp5:
0xb9: {  	s0 =	sshll.u32 s0, $0xE;
	[tilespmem:s6+$0x11C40] =	vst v0;
	v62 =	vmul.f32 $1.131370830e+01, v3;
	(pc) =	sbr.rel @p0 .LBB2_2-.Ltmp5, $4  }
0xba: {  	s0 =	sadd.s32 s5, s0;
	[tilespmem:s6+$0x11C50] =	vst v1;
	v63 =	vmul.f32 $1.131370830e+01, v61  }
0xbb: {  	s0 =	sshrl.u32 s0, $0x3;
	[tilespmem:s6+$0x11C60] =	vst v62  }
0xbc: {  	s0 =	sadd.s32 s3, s0;
	[tilespmem:s6+$0x11C70] =	vst v63  }
0xbd: {  	[hbm4b:s0+s4] =	stream.linear.scatter [tilespmem:s19], [sflag:$0x9], $0x4000, $0x38;
	[tilespmem:$0x15C00] =	vst v63  }
0xbe: {  	_ =	swait.ge [sflag:s25], $0x4000  }
0xbf: {  	[sflag:s25] =	ssyncset.done $0x0  }
0xc0: {  	[sflag:s25] =	ssyncadd.s32 $0xFFFFC000  }
0xc1: {  	_ =	swait.ge [sflag:s26], $0x4000  }
0xc2: {  	[sflag:s26] =	ssyncset.done $0x0  }
0xc3: {  	[sflag:s26] =	ssyncadd.s32 $0xFFFFC000  }
0xc4: {  	_ =	swait.ge [sflag:s28], $0x4000  }
0xc5: {  	[sflag:s28] =	ssyncset.done $0x0  }
0xc6: {  	[sflag:s28] =	ssyncadd.s32 $0xFFFFC000  }
0xc7: {  	_ =	swait.ge [sflag:s29], $0x4000  }
0xc8: {  	[sflag:s29] =	ssyncset.done $0x0  }
0xc9: {  	s0 =	rddreg [dreg:$0x5];
	[sflag:s29] =	ssyncadd.s32 $0xFFFFC000  }
0xca: {  	[hbm4b:s0+s4] =	stream.linear.scatter [tilespmem:s21], [sflag:$0xA], $0x4000, $0x38;
	[tilespmem:$0x15C00] =	vst v63  }
0xcb: {  	_ =	swait.ge [sflag:s30], $0x4000  }
0xcc: {  	s31 =	sadd.s32 $0x1, s31;
	s16 =	rddreg [dreg:$0x6]  }
0xcd: {  	p0 =	sne.s32 s31, s16  }
.Ltmp6:
0xce: {  	_ = 	snop;
	(pc) =	sbr.rel @p0 .LBB2_1-.Ltmp6, $3  }
0xcf: {  	_ =	sdelay $0x1  }
0xd0: {  	[sflag:s30] =	ssyncset.done $0x0  }
0xd1: {  	[sflag:s30] =	ssyncadd.s32 $0xFFFFC000  }
0xd2: {  	_ =	sfence.sel $0x180000  }
0xd3: {  	[bflag:$0x0] =	sbarrier.arrive $0xFFFF  }
0xd4: {  	_ =	strace $0x90000047  }
0xd5: {  	s0 =	stileid.u32;
	[bflag:$0x2] =	sbarrier.arrive $0xFFFF  }
0xd6: {  	p0 =	sne.s32 s0, $0x0;
	s0 =	rddreg [dreg:$0x3]  }
0xd7: {  	s0 =	sadd.s32 @!p0 $0x100000, s0  }
0xd8: {  	[sflag:s0] =	ssyncadd.tile.s32 @!p0 $0x1;
	_ =	shalt  }
.Lfunc_end2:
_tile_overlayer_lowered:
.L_overlay_start_2:
0xd9: {  	(tag) =	ssettag $0x2  }
0xda: {  	s0 =	rddreg [dreg:$0x0];
	s2 =	stileid.u32  }
0xdb: {  	s1 =	rddreg [dreg:$0x1];
	p0 =	sne.s32 s2, $0x0  }
0xdc: {  	s3 =	rddreg [dreg:$0x2];
	[bflag:$0x3] =	sbarrier.arrive $0xFFFF;
	s2 =	simm.s32 @!p0 $0x1C0B  }
0xdd: {  	[timem:s3], [sflag:s2] =	dma.local @!p0 [hbm:s0], s1  }
0xde: {  	s0 =	simm.s32 @!p0 $0xB  }
0xdf: {  	_ =	swait.ge @!p0 [sflag:s0], s1  }
0xe0: {  	s1 =	ssub.s32 @!p0 $0x0, s1;
	[sflag:s0] =	ssyncset.done @!p0 $0x0  }
0xe1: {  	[sflag:s0] =	ssyncadd.s32 @!p0 s1  }
0xe2: {  	[bflag:$0x3] =	sbarrier.arrive $0xFFFF  }
0xe3: {  	_ =	shalt  }

</sc_bundles>
